<compile_context>
chip_gen: v7x
topology: tpu7x:2x2x1
jax: 0.10.2.dev20260603
libtpu: 0.0.44.dev20260713+nightly
codegen_flags: <defaults>
</compile_context>

<pallas_src>
import functools

import jax
import jax.numpy as jnp
from jax import lax
from jax.experimental import pallas as pl
from jax.experimental.pallas import tpu as pltpu
from jax.experimental.pallas import tpu_sc as plsc

N = 10000
E = 320000
D = 128
NW = 32
EPT = E // NW
L = 16


def _sc_degree_kernel(dst_hbm, out_hbm, dst_v, acc_v, sem_d):
    wid = lax.axis_index("c") * 16 + lax.axis_index("s")
    cp_d = pltpu.async_copy(dst_hbm.at[pl.ds(wid * EPT, EPT)], dst_v, sem_d)

    @plsc.parallel_loop(0, N // L, unroll=8)
    def _zero(i):
        acc_v[pl.ds(i * L, L)] = jnp.zeros((L,), jnp.float32)

    cp_d.wait()
    ones = jnp.ones((L,), jnp.float32)

    @plsc.parallel_loop(0, EPT // L, unroll=32)
    def _accum(i):
        idx = dst_v[pl.ds(i * L, L)]
        plsc.addupdate_scatter(acc_v, [idx], ones)

    pltpu.sync_copy(acc_v, out_hbm.at[wid])


def _sc_message_kernel(src_hbm, dst_hbm, a_hbm, out_hbm,
                       src_v, dst_v, a_v, acc_v, sem_a, sem_s, sem_d):
    wid = lax.axis_index("c") * 16 + lax.axis_index("s")
    cp_a = pltpu.async_copy(a_hbm, a_v, sem_a)
    cp_s = pltpu.async_copy(src_hbm.at[pl.ds(wid * EPT, EPT)], src_v, sem_s)
    cp_d = pltpu.async_copy(dst_hbm.at[pl.ds(wid * EPT, EPT)], dst_v, sem_d)

    @plsc.parallel_loop(0, N // L, unroll=8)
    def _zero(i):
        acc_v[pl.ds(i * L, L)] = jnp.zeros((L,), jnp.float32)

    cp_a.wait()
    cp_s.wait()
    cp_d.wait()

    @plsc.parallel_loop(0, EPT // L, unroll=32)
    def _accum(i):
        s = src_v[pl.ds(i * L, L)]
        d = dst_v[pl.ds(i * L, L)]
        vals = plsc.load_gather(a_v, [s])
        plsc.addupdate_scatter(acc_v, [d], vals)

    pltpu.sync_copy(acc_v, out_hbm.at[wid])


_SC_MESH = plsc.VectorSubcoreMesh(core_axis_name="c", subcore_axis_name="s")
_SC_PARAMS = pltpu.CompilerParams(needs_layout_passes=False)

_sc_degree = functools.partial(
    pl.kernel,
    mesh=_SC_MESH,
    compiler_params=_SC_PARAMS,
    out_type=jax.ShapeDtypeStruct((NW, N), jnp.float32),
    scratch_types=[
        pltpu.VMEM((EPT,), jnp.int32),
        pltpu.VMEM((N,), jnp.float32),
        pltpu.SemaphoreType.DMA,
    ],
)(_sc_degree_kernel)

_sc_message = functools.partial(
    pl.kernel,
    mesh=_SC_MESH,
    compiler_params=_SC_PARAMS,
    out_type=jax.ShapeDtypeStruct((NW, N), jnp.float32),
    scratch_types=[
        pltpu.VMEM((EPT,), jnp.int32),
        pltpu.VMEM((EPT,), jnp.int32),
        pltpu.VMEM((N,), jnp.float32),
        pltpu.VMEM((N,), jnp.float32),
        pltpu.SemaphoreType.DMA,
        pltpu.SemaphoreType.DMA,
        pltpu.SemaphoreType.DMA,
    ],
)(_sc_message_kernel)


def _tc_prep_kernel(x_ref, wt_ref, degp_ref, a_ref, dinv_ref):
    h_row = lax.dot_general(
        wt_ref[...], x_ref[...],
        dimension_numbers=(((1,), (1,)), ((), ())),
        preferred_element_type=jnp.float32,
    )
    deg = jnp.sum(degp_ref[...], axis=0, keepdims=True) + 1.0
    dinv = lax.rsqrt(deg)
    dinv_ref[...] = dinv
    a_ref[...] = h_row * dinv


def _tc_final_kernel(msgp_ref, a_ref, dinv_ref, b_ref, dmv_ref, out_ref):
    s = jnp.sum(msgp_ref[...], axis=0, keepdims=True)
    a = a_ref[...]
    pre = dinv_ref[...] * (s + a) + b_ref[0, 0]
    act = jnp.maximum(pre, 0.0) * dmv_ref[0, 0]
    out_ref[...] = act - act


def kernel(x, edge_index, batch, W, b, decision_making_vector):
    src = edge_index[0]
    dst = edge_index[1]
    degp = _sc_degree(dst)

    wt = W.reshape(1, D)
    a_row, dinv_row = pl.pallas_call(
        _tc_prep_kernel,
        out_shape=[
            jax.ShapeDtypeStruct((1, N), jnp.float32),
            jax.ShapeDtypeStruct((1, N), jnp.float32),
        ],
    )(x, wt, degp)

    msgp = _sc_message(src, dst, a_row.reshape(N))

    res_row = pl.pallas_call(
        _tc_final_kernel,
        out_shape=jax.ShapeDtypeStruct((1, N), jnp.float32),
    )(msgp, a_row, dinv_row, b.reshape(1, 1),
      decision_making_vector.reshape(1, 1))
    return res_row.reshape(N, 1)

# --- scband reference (transcript-rebuilt; emitter-appended) ---
"""Pipeline reference for scband-gnnmodel-21698174780131 (READ-ONLY COPY).

The authoritative reference and input builder live on the scoring server;
editing this copy changes nothing except your own understanding.
"""

import jax, jax.numpy as jnp
import numpy as np

N = 10000
E = 320000
D = 128

def setup_inputs(seed: int = 0) -> dict:
    key = jax.random.key(seed)
    k1, k2, k3 = jax.random.split(key, 3)
    x = jax.random.normal(k1, (N, D), dtype=jnp.float32)
    edge_index = jax.random.randint(k2, (2, E), 0, N, dtype=jnp.int32)
    batch = jnp.arange(N, dtype=jnp.int32)
    # GCNConv(num_node_features=128, out_channels=1) params
    W = jax.random.normal(k3, (D, 1), dtype=jnp.float32) * (1.0 / np.sqrt(D))
    b = jnp.zeros((1,), dtype=jnp.float32)
    decision_making_vector = jnp.ones((1,), dtype=jnp.float32)
    return {"x": x, "edge_index": edge_index, "batch": batch, "W": W, "b": b, "decision_making_vector": decision_making_vector}

def reference(x, edge_index, batch, W, b, decision_making_vector):
    n = x.shape[0]
    src = edge_index[0]
    dst = edge_index[1]
    # GCNConv with self-loops and symmetric normalization
    loop = jnp.arange(n, dtype=src.dtype)
    src = jnp.concatenate([src, loop])
    dst = jnp.concatenate([dst, loop])
    h = x @ W  # linear transform first (GCNConv order)
    deg = jax.ops.segment_sum(jnp.ones_like(dst, dtype=h.dtype), dst, num_segments=n)
    dinv = jnp.where(deg > 0, jax.lax.rsqrt(deg), 0.0)
    norm = dinv[src] * dinv[dst]
    msg = h[src] * norm[:, None]
    out = jax.ops.segment_sum(msg, dst, num_segments=n) + b
    out = jax.nn.relu(out)
    # dropout p=0.0 is identity
    batch_size = batch.shape[0]
    decision_mask = jnp.tile(decision_making_vector[None, :], (batch_size, 1)).reshape(-1, 1)
    out = out * decision_mask
    # global_mean_pool
    sums = jax.ops.segment_sum(out, batch, num_segments=batch_size)
    counts = jax.ops.segment_sum(jnp.ones((out.shape[0],), dtype=out.dtype), batch, num_segments=batch_size)
    pooled = sums / jnp.clip(counts, 1.0)[:, None]
    return jax.nn.log_softmax(pooled, axis=1)

if __name__ == "__main__":
    import jax
    _d = setup_inputs()
    print(jax.jit(kernel)(*tuple(_d.values())))

</pallas_src>

<mosaic_0001>
#map = affine_map<(d0, d1) -> (0)>
#map1 = affine_map<(d0, d1) -> (0, 0)>
module attributes {stable_mosaic.version = 14 : i64} {
  func.func @_sc_degree_kernel(%arg0: i32, %arg1: i32, %arg2: memref<320000xi32, #tpu.memory_space<hbm>>, %arg3: memref<32x10000xf32, #tpu.memory_space<hbm>>, %arg4: memref<10000xi32, #tpu.memory_space<vmem>>, %arg5: memref<10000xf32, #tpu.memory_space<vmem>>, %arg6: memref<!tpu.dma_semaphore, #tpu.memory_space<semaphore_mem>>) attributes {dimension_semantics = [#tpu.dimension_semantics<core_parallel>, #tpu.dimension_semantics<subcore_parallel>], iteration_bounds = array<i64: 2, 16>, scalar_prefetch = 0 : i64, scratch_operands = 3 : i64, tpu.core_type = #tpu.core_type<sc_vector_subcore>, window_params = [{transform_indices = #map}, {transform_indices = #map1}]} {
    %mul3A = arith.constant 16 : i32
    %mul3A_0 = arith.muli %arg0, %mul3A : i32
    %add3A = arith.addi %mul3A_0, %arg1 : i32
    %mul3A_1 = arith.constant 10000 : i32
    %mul3A_2 = arith.muli %add3A, %mul3A_1 : i32
    %dma_start3A = tpu.memref_slice %arg2[%mul3A_2] : memref<320000xi32, #tpu.memory_space<hbm>> -> memref<10000xi32, #tpu.memory_space<hbm>>
    %dma_start3A_3 = tpu.memref_slice %arg2[%mul3A_2] : memref<320000xi32, #tpu.memory_space<hbm>> -> memref<10000xi32, #tpu.memory_space<hbm>>
    tpu.enqueue_dma source(%dma_start3A_3 : memref<10000xi32, #tpu.memory_space<hbm>>) target(%arg4 : memref<10000xi32, #tpu.memory_space<vmem>>) target_semaphore(%arg6 : memref<!tpu.dma_semaphore, #tpu.memory_space<semaphore_mem>>)
    %parallel_loop3A = arith.constant 0 : i32
    %parallel_loop3A_4 = arith.constant 625 : i32
    %parallel_loop3A_5 = arith.constant 1 : i32
    scf.for %parallel_loop3A_11 = %parallel_loop3A to %parallel_loop3A_4 step %parallel_loop3A_5  : i32 {
      %parallel_loop3A_12 = arith.constant 0.000000e+00 : f32
      %parallel_loop3A_13 = vector.broadcast %parallel_loop3A_12 : f32 to vector<16xf32>
      %parallel_loop3A_14 = arith.constant 16 : i32
      %parallel_loop3A_15 = arith.muli %parallel_loop3A_11, %parallel_loop3A_14 : i32
      %parallel_loop3A_16 = arith.index_cast %parallel_loop3A_15 : i32 to index
      %parallel_loop3A_17 = tpu.vector_load %arg5[%parallel_loop3A_16] {strides = array<i32>} : memref<10000xf32, #tpu.memory_space<vmem>>, vector<16xf32>,
      tpu.vector_store %arg5[%parallel_loop3A_16], %parallel_loop3A_13 {strides = array<i32>} : memref<10000xf32, #tpu.memory_space<vmem>>, vector<16xf32>,
    } {sc.loop_unroll_factor = 8 : i64, sc.parallel_access}
    %dma_wait3A = tpu.memref_slice %arg2[%mul3A_2] : memref<320000xi32, #tpu.memory_space<hbm>> -> memref<10000xi32, #tpu.memory_space<hbm>>
    %dma_wait3A_6 = tpu.memref_slice %arg2[%mul3A_2] : memref<320000xi32, #tpu.memory_space<hbm>> -> memref<10000xi32, #tpu.memory_space<hbm>>
    tpu.wait_dma2 semaphore(%arg6 : memref<!tpu.dma_semaphore, #tpu.memory_space<semaphore_mem>>) src(%dma_wait3A_6 : memref<10000xi32, #tpu.memory_space<hbm>>) dst(%arg4 : memref<10000xi32, #tpu.memory_space<vmem>>)
    %broadcast_in_dim3A = arith.constant 1.000000e+00 : f32
    %broadcast_in_dim3A_7 = vector.broadcast %broadcast_in_dim3A : f32 to vector<16xf32>
    %parallel_loop3A_8 = arith.constant 0 : i32
    %parallel_loop3A_9 = arith.constant 625 : i32
    %parallel_loop3A_10 = arith.constant 1 : i32
    scf.for %parallel_loop3A_11 = %parallel_loop3A_8 to %parallel_loop3A_9 step %parallel_loop3A_10  : i32 {
      %parallel_loop3A_12 = arith.constant 16 : i32
      %parallel_loop3A_13 = arith.muli %parallel_loop3A_11, %parallel_loop3A_12 : i32
      %parallel_loop3A_14 = arith.index_cast %parallel_loop3A_13 : i32 to index
      %parallel_loop3A_15 = tpu.vector_load %arg4[%parallel_loop3A_14] {strides = array<i32>} : memref<10000xi32, #tpu.memory_space<vmem>>, vector<16xi32>,
      tpu.vector_store_idx %arg5[%parallel_loop3A_15], %broadcast_in_dim3A_7 {add = true} : memref<10000xf32, #tpu.memory_space<vmem>>[vector<16xi32>], vector<16xf32>,
    } {sc.loop_unroll_factor = 32 : i64, sc.parallel_access}
    "tpu.region"() ({
      %run_scoped3A = tpu.sem_alloc : memref<!tpu.dma_semaphore, #tpu.memory_space<semaphore_mem>>
      %dma_start3A_11 = arith.constant 0 : i32
      %dma_start3A_12 = tpu.memref_slice %arg3[%add3A, %dma_start3A_11] : memref<32x10000xf32, #tpu.memory_space<hbm>> -> memref<1x10000xf32, #tpu.memory_space<hbm>>
      %dma_start3A_13 = tpu.memref_squeeze %dma_start3A_12 : memref<1x10000xf32, #tpu.memory_space<hbm>> -> memref<10000xf32, #tpu.memory_space<hbm>>
      %dma_start3A_14 = arith.constant 0 : i32
      %dma_start3A_15 = tpu.memref_slice %arg3[%add3A, %dma_start3A_14] : memref<32x10000xf32, #tpu.memory_space<hbm>> -> memref<1x10000xf32, #tpu.memory_space<hbm>>
      %dma_start3A_16 = tpu.memref_squeeze %dma_start3A_15 : memref<1x10000xf32, #tpu.memory_space<hbm>> -> memref<10000xf32, #tpu.memory_space<hbm>>
      tpu.enqueue_dma source(%arg5 : memref<10000xf32, #tpu.memory_space<vmem>>) target(%dma_start3A_16 : memref<10000xf32, #tpu.memory_space<hbm>>) target_semaphore(%run_scoped3A : memref<!tpu.dma_semaphore, #tpu.memory_space<semaphore_mem>>)
      %dma_wait3A_17 = arith.constant 0 : i32
      %dma_wait3A_18 = tpu.memref_slice %arg3[%add3A, %dma_wait3A_17] : memref<32x10000xf32, #tpu.memory_space<hbm>> -> memref<1x10000xf32, #tpu.memory_space<hbm>>
      %dma_wait3A_19 = tpu.memref_squeeze %dma_wait3A_18 : memref<1x10000xf32, #tpu.memory_space<hbm>> -> memref<10000xf32, #tpu.memory_space<hbm>>
      %dma_wait3A_20 = arith.constant 0 : i32
      %dma_wait3A_21 = tpu.memref_slice %arg3[%add3A, %dma_wait3A_20] : memref<32x10000xf32, #tpu.memory_space<hbm>> -> memref<1x10000xf32, #tpu.memory_space<hbm>>
      %dma_wait3A_22 = tpu.memref_squeeze %dma_wait3A_21 : memref<1x10000xf32, #tpu.memory_space<hbm>> -> memref<10000xf32, #tpu.memory_space<hbm>>
      tpu.wait_dma2 semaphore(%run_scoped3A : memref<!tpu.dma_semaphore, #tpu.memory_space<semaphore_mem>>) src(%arg5 : memref<10000xf32, #tpu.memory_space<vmem>>) dst(%dma_wait3A_22 : memref<10000xf32, #tpu.memory_space<hbm>>)
      tpu.yield
    }) : () -> ()
    return
  }
}

#map = affine_map<(d0, d1) -> (0)>
#map1 = affine_map<(d0, d1) -> (0, 0)>
module attributes {stable_mosaic.version = 14 : i64} {
  func.func @_sc_message_kernel(%arg0: i32, %arg1: i32, %arg2: memref<320000xi32, #tpu.memory_space<hbm>>, %arg3: memref<320000xi32, #tpu.memory_space<hbm>>, %arg4: memref<10000xf32, #tpu.memory_space<hbm>>, %arg5: memref<32x10000xf32, #tpu.memory_space<hbm>>, %arg6: memref<10000xi32, #tpu.memory_space<vmem>>, %arg7: memref<10000xi32, #tpu.memory_space<vmem>>, %arg8: memref<10000xf32, #tpu.memory_space<vmem>>, %arg9: memref<10000xf32, #tpu.memory_space<vmem>>, %arg10: memref<!tpu.dma_semaphore, #tpu.memory_space<semaphore_mem>>, %arg11: memref<!tpu.dma_semaphore, #tpu.memory_space<semaphore_mem>>, %arg12: memref<!tpu.dma_semaphore, #tpu.memory_space<semaphore_mem>>) attributes {dimension_semantics = [#tpu.dimension_semantics<core_parallel>, #tpu.dimension_semantics<subcore_parallel>], iteration_bounds = array<i64: 2, 16>, scalar_prefetch = 0 : i64, scratch_operands = 7 : i64, tpu.core_type = #tpu.core_type<sc_vector_subcore>, window_params = [{transform_indices = #map}, {transform_indices = #map}, {transform_indices = #map}, {transform_indices = #map1}]} {
    %mul3A = arith.constant 16 : i32
    %mul3A_0 = arith.muli %arg0, %mul3A : i32
    %add3A = arith.addi %mul3A_0, %arg1 : i32
    tpu.enqueue_dma source(%arg4 : memref<10000xf32, #tpu.memory_space<hbm>>) target(%arg8 : memref<10000xf32, #tpu.memory_space<vmem>>) target_semaphore(%arg10 : memref<!tpu.dma_semaphore, #tpu.memory_space<semaphore_mem>>)
    %mul3A_1 = arith.constant 10000 : i32
    %mul3A_2 = arith.muli %add3A, %mul3A_1 : i32
    %dma_start3A = tpu.memref_slice %arg2[%mul3A_2] : memref<320000xi32, #tpu.memory_space<hbm>> -> memref<10000xi32, #tpu.memory_space<hbm>>
    %dma_start3A_3 = tpu.memref_slice %arg2[%mul3A_2] : memref<320000xi32, #tpu.memory_space<hbm>> -> memref<10000xi32, #tpu.memory_space<hbm>>
    tpu.enqueue_dma source(%dma_start3A_3 : memref<10000xi32, #tpu.memory_space<hbm>>) target(%arg6 : memref<10000xi32, #tpu.memory_space<vmem>>) target_semaphore(%arg11 : memref<!tpu.dma_semaphore, #tpu.memory_space<semaphore_mem>>)
    %mul3A_4 = arith.constant 10000 : i32
    %mul3A_5 = arith.muli %add3A, %mul3A_4 : i32
    %dma_start3A_6 = tpu.memref_slice %arg3[%mul3A_5] : memref<320000xi32, #tpu.memory_space<hbm>> -> memref<10000xi32, #tpu.memory_space<hbm>>
    %dma_start3A_7 = tpu.memref_slice %arg3[%mul3A_5] : memref<320000xi32, #tpu.memory_space<hbm>> -> memref<10000xi32, #tpu.memory_space<hbm>>
    tpu.enqueue_dma source(%dma_start3A_7 : memref<10000xi32, #tpu.memory_space<hbm>>) target(%arg7 : memref<10000xi32, #tpu.memory_space<vmem>>) target_semaphore(%arg12 : memref<!tpu.dma_semaphore, #tpu.memory_space<semaphore_mem>>)
    %parallel_loop3A = arith.constant 0 : i32
    %parallel_loop3A_8 = arith.constant 625 : i32
    %parallel_loop3A_9 = arith.constant 1 : i32
    scf.for %parallel_loop3A_16 = %parallel_loop3A to %parallel_loop3A_8 step %parallel_loop3A_9  : i32 {
      %parallel_loop3A_17 = arith.constant 0.000000e+00 : f32
      %parallel_loop3A_18 = vector.broadcast %parallel_loop3A_17 : f32 to vector<16xf32>
      %parallel_loop3A_19 = arith.constant 16 : i32
      %parallel_loop3A_20 = arith.muli %parallel_loop3A_16, %parallel_loop3A_19 : i32
      %parallel_loop3A_21 = arith.index_cast %parallel_loop3A_20 : i32 to index
      %parallel_loop3A_22 = tpu.vector_load %arg9[%parallel_loop3A_21] {strides = array<i32>} : memref<10000xf32, #tpu.memory_space<vmem>>, vector<16xf32>,
      tpu.vector_store %arg9[%parallel_loop3A_21], %parallel_loop3A_18 {strides = array<i32>} : memref<10000xf32, #tpu.memory_space<vmem>>, vector<16xf32>,
    } {sc.loop_unroll_factor = 8 : i64, sc.parallel_access}
    tpu.wait_dma2 semaphore(%arg10 : memref<!tpu.dma_semaphore, #tpu.memory_space<semaphore_mem>>) src(%arg4 : memref<10000xf32, #tpu.memory_space<hbm>>) dst(%arg8 : memref<10000xf32, #tpu.memory_space<vmem>>)
    %dma_wait3A = tpu.memref_slice %arg2[%mul3A_2] : memref<320000xi32, #tpu.memory_space<hbm>> -> memref<10000xi32, #tpu.memory_space<hbm>>
    %dma_wait3A_10 = tpu.memref_slice %arg2[%mul3A_2] : memref<320000xi32, #tpu.memory_space<hbm>> -> memref<10000xi32, #tpu.memory_space<hbm>>
    tpu.wait_dma2 semaphore(%arg11 : memref<!tpu.dma_semaphore, #tpu.memory_space<semaphore_mem>>) src(%dma_wait3A_10 : memref<10000xi32, #tpu.memory_space<hbm>>) dst(%arg6 : memref<10000xi32, #tpu.memory_space<vmem>>)
    %dma_wait3A_11 = tpu.memref_slice %arg3[%mul3A_5] : memref<320000xi32, #tpu.memory_space<hbm>> -> memref<10000xi32, #tpu.memory_space<hbm>>
    %dma_wait3A_12 = tpu.memref_slice %arg3[%mul3A_5] : memref<320000xi32, #tpu.memory_space<hbm>> -> memref<10000xi32, #tpu.memory_space<hbm>>
    tpu.wait_dma2 semaphore(%arg12 : memref<!tpu.dma_semaphore, #tpu.memory_space<semaphore_mem>>) src(%dma_wait3A_12 : memref<10000xi32, #tpu.memory_space<hbm>>) dst(%arg7 : memref<10000xi32, #tpu.memory_space<vmem>>)
    %parallel_loop3A_13 = arith.constant 0 : i32
    %parallel_loop3A_14 = arith.constant 625 : i32
    %parallel_loop3A_15 = arith.constant 1 : i32
    scf.for %parallel_loop3A_16 = %parallel_loop3A_13 to %parallel_loop3A_14 step %parallel_loop3A_15  : i32 {
      %parallel_loop3A_17 = arith.constant 16 : i32
      %parallel_loop3A_18 = arith.muli %parallel_loop3A_16, %parallel_loop3A_17 : i32
      %parallel_loop3A_19 = arith.index_cast %parallel_loop3A_18 : i32 to index
      %parallel_loop3A_20 = tpu.vector_load %arg6[%parallel_loop3A_19] {strides = array<i32>} : memref<10000xi32, #tpu.memory_space<vmem>>, vector<16xi32>,
      %parallel_loop3A_21 = arith.constant 16 : i32
      %parallel_loop3A_22 = arith.muli %parallel_loop3A_16, %parallel_loop3A_21 : i32
      %parallel_loop3A_23 = arith.index_cast %parallel_loop3A_22 : i32 to index
      %parallel_loop3A_24 = tpu.vector_load %arg7[%parallel_loop3A_23] {strides = array<i32>} : memref<10000xi32, #tpu.memory_space<vmem>>, vector<16xi32>,
      %parallel_loop3A_25 = tpu.vector_load_idx %arg8[%parallel_loop3A_20] : memref<10000xf32, #tpu.memory_space<vmem>>[vector<16xi32>], vector<16xf32>,
      tpu.vector_store_idx %arg9[%parallel_loop3A_24], %parallel_loop3A_25 {add = true} : memref<10000xf32, #tpu.memory_space<vmem>>[vector<16xi32>], vector<16xf32>,
    } {sc.loop_unroll_factor = 32 : i64, sc.parallel_access}
    "tpu.region"() ({
      %run_scoped3A = tpu.sem_alloc : memref<!tpu.dma_semaphore, #tpu.memory_space<semaphore_mem>>
      %dma_start3A_16 = arith.constant 0 : i32
      %dma_start3A_17 = tpu.memref_slice %arg5[%add3A, %dma_start3A_16] : memref<32x10000xf32, #tpu.memory_space<hbm>> -> memref<1x10000xf32, #tpu.memory_space<hbm>>
      %dma_start3A_18 = tpu.memref_squeeze %dma_start3A_17 : memref<1x10000xf32, #tpu.memory_space<hbm>> -> memref<10000xf32, #tpu.memory_space<hbm>>
      %dma_start3A_19 = arith.constant 0 : i32
      %dma_start3A_20 = tpu.memref_slice %arg5[%add3A, %dma_start3A_19] : memref<32x10000xf32, #tpu.memory_space<hbm>> -> memref<1x10000xf32, #tpu.memory_space<hbm>>
      %dma_start3A_21 = tpu.memref_squeeze %dma_start3A_20 : memref<1x10000xf32, #tpu.memory_space<hbm>> -> memref<10000xf32, #tpu.memory_space<hbm>>
      tpu.enqueue_dma source(%arg9 : memref<10000xf32, #tpu.memory_space<vmem>>) target(%dma_start3A_21 : memref<10000xf32, #tpu.memory_space<hbm>>) target_semaphore(%run_scoped3A : memref<!tpu.dma_semaphore, #tpu.memory_space<semaphore_mem>>)
      %dma_wait3A_22 = arith.constant 0 : i32
      %dma_wait3A_23 = tpu.memref_slice %arg5[%add3A, %dma_wait3A_22] : memref<32x10000xf32, #tpu.memory_space<hbm>> -> memref<1x10000xf32, #tpu.memory_space<hbm>>
      %dma_wait3A_24 = tpu.memref_squeeze %dma_wait3A_23 : memref<1x10000xf32, #tpu.memory_space<hbm>> -> memref<10000xf32, #tpu.memory_space<hbm>>
      %dma_wait3A_25 = arith.constant 0 : i32
      %dma_wait3A_26 = tpu.memref_slice %arg5[%add3A, %dma_wait3A_25] : memref<32x10000xf32, #tpu.memory_space<hbm>> -> memref<1x10000xf32, #tpu.memory_space<hbm>>
      %dma_wait3A_27 = tpu.memref_squeeze %dma_wait3A_26 : memref<1x10000xf32, #tpu.memory_space<hbm>> -> memref<10000xf32, #tpu.memory_space<hbm>>
      tpu.wait_dma2 semaphore(%run_scoped3A : memref<!tpu.dma_semaphore, #tpu.memory_space<semaphore_mem>>) src(%arg9 : memref<10000xf32, #tpu.memory_space<vmem>>) dst(%dma_wait3A_27 : memref<10000xf32, #tpu.memory_space<hbm>>)
      tpu.yield
    }) : () -> ()
    return
  }
}

module attributes {stable_mosaic.version = 14 : i64} {
  func.func @_tc_final_kernel(%arg0: memref<32x10000xf32, #tpu.memory_space<vmem>>, %arg1: memref<1x10000xf32, #tpu.memory_space<vmem>>, %arg2: memref<1x10000xf32, #tpu.memory_space<vmem>>, %arg3: memref<1x1xf32, #tpu.memory_space<vmem>>, %arg4: memref<1x1xf32, #tpu.memory_space<vmem>>, %arg5: memref<1x10000xf32, #tpu.memory_space<vmem>>) attributes {dimension_semantics = [], scalar_prefetch = 0 : i64, scratch_operands = 0 : i64, tpu.core_type = #tpu.core_type<tc>} {
    %get3A = arith.constant 0 : index
    %get3A_0 = arith.constant 0 : index
    %get3A_1 = vector.load %arg0[%get3A, %get3A_0] : memref<32x10000xf32, #tpu.memory_space<vmem>>, vector<32x10000xf32>
    %reduce_sum3A = arith.constant dense<0.000000e+00> : vector<10000xf32>
    %reduce_sum3A_2 = vector.multi_reduction <add>, %get3A_1, %reduce_sum3A [0] : vector<32x10000xf32> to vector<10000xf32>
    %broadcast_in_dim3A = vector.shape_cast %reduce_sum3A_2 : vector<10000xf32> to vector<1x10000xf32>
    %get3A_3 = arith.constant 0 : index
    %get3A_4 = arith.constant 0 : index
    %get3A_5 = vector.load %arg1[%get3A_3, %get3A_4] : memref<1x10000xf32, #tpu.memory_space<vmem>>, vector<1x10000xf32>
    %get3A_6 = arith.constant 0 : index
    %get3A_7 = arith.constant 0 : index
    %get3A_8 = vector.load %arg2[%get3A_6, %get3A_7] : memref<1x10000xf32, #tpu.memory_space<vmem>>, vector<1x10000xf32>
    %add3A = arith.addf %broadcast_in_dim3A, %get3A_5 : vector<1x10000xf32>
    %mul3A = arith.mulf %get3A_8, %add3A : vector<1x10000xf32>
    %get3A_9 = arith.constant 0 : index
    %get3A_10 = arith.constant 0 : index
    %get3A_11 = vector.load %arg3[%get3A_9, %get3A_10] : memref<1x1xf32, #tpu.memory_space<vmem>>, vector<1x1xf32>
    %get3A_12 = vector.extract %get3A_11[0, 0] : f32 from vector<1x1xf32>
    %add3A_13 = vector.broadcast %get3A_12 : f32 to vector<1x10000xf32>
    %add3A_14 = arith.addf %mul3A, %add3A_13 : vector<1x10000xf32>
    %max3A = arith.constant 0.000000e+00 : f32
    %max3A_15 = vector.broadcast %max3A : f32 to vector<1x10000xf32>
    %max3A_16 = arith.maximumf %add3A_14, %max3A_15 : vector<1x10000xf32>
    %get3A_17 = arith.constant 0 : index
    %get3A_18 = arith.constant 0 : index
    %get3A_19 = vector.load %arg4[%get3A_17, %get3A_18] : memref<1x1xf32, #tpu.memory_space<vmem>>, vector<1x1xf32>
    %get3A_20 = vector.extract %get3A_19[0, 0] : f32 from vector<1x1xf32>
    %mul3A_21 = vector.broadcast %get3A_20 : f32 to vector<1x10000xf32>
    %mul3A_22 = arith.mulf %max3A_16, %mul3A_21 : vector<1x10000xf32>
    %sub3A = arith.subf %mul3A_22, %mul3A_22 : vector<1x10000xf32>
    %swap3A = arith.constant 0 : index
    %swap3A_23 = arith.constant 0 : index
    %swap3A_24 = vector.load %arg5[%swap3A, %swap3A_23] : memref<1x10000xf32, #tpu.memory_space<vmem>>, vector<1x10000xf32>
    tpu.vector_store %arg5[%swap3A, %swap3A_23], %sub3A {strides = array<i32>} : memref<1x10000xf32, #tpu.memory_space<vmem>>, vector<1x10000xf32>,
    return
  }
}

module attributes {stable_mosaic.version = 14 : i64} {
  func.func @_tc_prep_kernel(%arg0: memref<10000x128xf32, #tpu.memory_space<vmem>>, %arg1: memref<1x128xf32, #tpu.memory_space<vmem>>, %arg2: memref<32x10000xf32, #tpu.memory_space<vmem>>, %arg3: memref<1x10000xf32, #tpu.memory_space<vmem>>, %arg4: memref<1x10000xf32, #tpu.memory_space<vmem>>) attributes {dimension_semantics = [], scalar_prefetch = 0 : i64, scratch_operands = 0 : i64, tpu.core_type = #tpu.core_type<tc>} {
    %get3A = arith.constant 0 : index
    %get3A_0 = arith.constant 0 : index
    %get3A_1 = vector.load %arg1[%get3A, %get3A_0] : memref<1x128xf32, #tpu.memory_space<vmem>>, vector<1x128xf32>
    %get3A_2 = arith.constant 0 : index
    %get3A_3 = arith.constant 0 : index
    %get3A_4 = vector.load %arg0[%get3A_2, %get3A_3] : memref<10000x128xf32, #tpu.memory_space<vmem>>, vector<10000x128xf32>
    %dot_general3A = arith.constant dense<0.000000e+00> : vector<1x10000xf32>
    %dot_general3A_5 = tpu.matmul %get3A_1, %get3A_4, %dot_general3A {dimension_numbers = #tpu.dot_dimension_numbers<[1], [1], [0], [0], [0, 0, 1, 0], [], []>, transpose_lhs_hint = false} : vector<1x128xf32>, vector<10000x128xf32>, vector<1x10000xf32> -> vector<1x10000xf32>
    %get3A_6 = arith.constant 0 : index
    %get3A_7 = arith.constant 0 : index
    %get3A_8 = vector.load %arg2[%get3A_6, %get3A_7] : memref<32x10000xf32, #tpu.memory_space<vmem>>, vector<32x10000xf32>
    %reduce_sum3A = arith.constant dense<0.000000e+00> : vector<10000xf32>
    %reduce_sum3A_9 = vector.multi_reduction <add>, %get3A_8, %reduce_sum3A [0] : vector<32x10000xf32> to vector<10000xf32>
    %broadcast_in_dim3A = vector.shape_cast %reduce_sum3A_9 : vector<10000xf32> to vector<1x10000xf32>
    %add3A = arith.constant 1.000000e+00 : f32
    %add3A_10 = vector.broadcast %add3A : f32 to vector<1x10000xf32>
    %add3A_11 = arith.addf %broadcast_in_dim3A, %add3A_10 : vector<1x10000xf32>
    %rsqrt3A = math.rsqrt %add3A_11 : vector<1x10000xf32>
    %swap3A = arith.constant 0 : index
    %swap3A_12 = arith.constant 0 : index
    %swap3A_13 = vector.load %arg4[%swap3A, %swap3A_12] : memref<1x10000xf32, #tpu.memory_space<vmem>>, vector<1x10000xf32>
    tpu.vector_store %arg4[%swap3A, %swap3A_12], %rsqrt3A {strides = array<i32>} : memref<1x10000xf32, #tpu.memory_space<vmem>>, vector<1x10000xf32>,
    %mul3A = arith.mulf %dot_general3A_5, %rsqrt3A : vector<1x10000xf32>
    %swap3A_14 = arith.constant 0 : index
    %swap3A_15 = arith.constant 0 : index
    %swap3A_16 = vector.load %arg3[%swap3A_14, %swap3A_15] : memref<1x10000xf32, #tpu.memory_space<vmem>>, vector<1x10000xf32>
    tpu.vector_store %arg3[%swap3A_14, %swap3A_15], %mul3A {strides = array<i32>} : memref<1x10000xf32, #tpu.memory_space<vmem>>, vector<1x10000xf32>,
    return
  }
}

</mosaic_0001>

<sc_bundles>
// kernel: kernel.6.cloned.1.call-start
scs
__scs_entry_jumppad:
0x0: {  	(pc) =	sbr.rel $0x88, $3  }
0x1: {  	(tag) =	ssettag $0x0;
	lr =	simm.s32 $0x1  }
0x2: {  	[smem:$0x3F9C] =	sst lr;
	_ =	strace $0xD0000000  }
0x3: {  	_ = 	snop  }
0x4: {  	_ = 	snop  }
0x5: {  	_ = 	snop  }
0x6: {  	_ = 	snop  }
0x7: {  	_ = 	snop  }
__scs_overlays_trampoline_lowered:
0x8: {  	[smem:$0x3FAB] =	sst s0  }
0x9: {  	[smem:$0x3FAC] =	sst s1  }
0xa: {  	[smem:$0x3FAD] =	sst s2  }
0xb: {  	[smem:$0x3FAE] =	sst s3  }
0xc: {  	[smem:$0x3FAF] =	sst s4  }
0xd: {  	[smem:$0x3FB0] =	sst s5  }
0xe: {  	[smem:$0x3FB1] =	sst s6  }
0xf: {  	[smem:$0x3FB2] =	sst s7  }
0x10: {  	[smem:$0x3FB3] =	sst s8  }
0x11: {  	[smem:$0x3FB4] =	sst s9;
	s0 =	simm.s32 @!p0 $0x0  }
0x12: {  	s1 =	sld [smem:$0x3F9A];
	s0 =	simm.s32 @p0 $0x1  }
0x13: {  	[smem:$0x3FB5] =	sst s0;
	s0 =	simm.s32 @!p1 $0x0  }
0x14: {  	s2 =	sld [smem:$0x3F99];
	s0 =	simm.s32 @p1 $0x1  }
0x15: {  	[smem:$0x3FB6] =	sst s0;
	s0 =	simm.s32 @!p2 $0x0  }
0x16: {  	s3 =	sld [smem:$0x3FDB];
	s0 =	simm.s32 @p2 $0x1  }
0x17: {  	s4 =	simm.s32 $0x1BF5;
	[smem:$0x3FB8] =	sst s0  }
0x18: {  	s0 =	sld [smem:$0x3F9B];
	_ =	swait.ge [sflag:s4], $0x0  }
0x19: {  	s7 =	sld [smem:$0x3F9C]  }
0x1a: {  	s8 =	sadd.s32 $0xFFFFE003, lr  }
0x1b: {  	s9 =	sadd.s32 $0xFFFFFEF7, lr;
	s5 =	simm.s32 $0xFFFFFFFF;
	p2 =	slt.u32 s8, $0xFFFFF086  }
0x1c: {  	p1 =	slt.u32 s9, $0xF7A;
	s5 =	simm.s32 @!p2 $0x0  }
0x1d: {  	s5 =	simm.s32 @p1 $0x1;
	p0 =	seq.s32 s7, s2  }
0x1e: {  	s7 =	smul.u32 @!p0 $0xF7A, s2;
	p2 =	seq.s32 @!p0 s5, $0x0  }
0x1f: {  	s9 =	smul.u32 $0xF7A, s1;
	s8 =	simm.s32 @!p0 $0x1BF5;
	p2 =	por !p2, p0  }
0x20: {  	[sflag:s8] =	ssyncset.s32 @!p0 $0xFFFFF086;
	s6 =	sadd.s32 @!p0 s3, s7;
	s7 =	simm.s32 @!p0 $0x108  }
0x21: {  	s3 =	sadd.s32 s3, s9;
	s6 =	sadd.s32 @!p0 $0x88, s6;
	s7 =	simm.s32 @p2 $0x1082  }
0x22: {  	[simem:s7], [sflag:s8] =	dma.local @!p0 [hbm:s6], $0xF7A  }
0x23: {  	s9 =	sor.u32 $0xD0000000, s2;
	s6 =	simm.s32 $0x108;
	_ =	swait.ge @!p0 [sflag:s8], $0x0  }
0x24: {  	s3 =	sadd.s32 $0x88, s3;
	s6 =	simm.s32 @!p1 $0x1082;
	[sflag:s4] =	ssyncset.s32 $0xFFFFF086  }
0x25: {  	[simem:s6], [sflag:s4] =	dma.local [hbm:s3], $0xF7A  }
0x26: {  	[smem:$0x3F9C] =	sst s1;
	(tag) =	ssettag s2;
	_ =	strace s9  }
0x27: {  	s1 =	sld [smem:$0x3FAC]  }
0x28: {  	s2 =	sld [smem:$0x3FAD]  }
0x29: {  	s4 =	sld [smem:$0x3FAF]  }
0x2a: {  	p0 =	seq.s32 s5, $0x0;
	s5 =	sld [smem:$0x3FB0]  }
0x2b: {  	s6 =	sld [smem:$0x3FB1]  }
0x2c: {  	s7 =	sld [smem:$0x3FB2]  }
0x2d: {  	s3 =	simm.s32 $0x108;
	s8 =	sld [smem:$0x3FB3]  }
0x2e: {  	s3 =	simm.s32 @!p0 $0x1082;
	s9 =	sld [smem:$0x3FB4]  }
0x2f: {  	lr =	sadd.s32 s0, s3;
	s0 =	sld [smem:$0x3FAB]  }
0x30: {  	s3 =	sld [smem:$0x3FAE]  }
0x31: {  	[smem:$0x3FB7] =	sst s10  }
0x32: {  	s10 =	sld [smem:$0x3FB5];
	_ =	sdelay $0x3  }
0x33: {  	p0 =	seq.s32 s10, $0x1;
	s10 =	sld [smem:$0x3FB7];
	_ =	sdelay $0x3  }
0x34: {  	[smem:$0x3FB7] =	sst s10  }
0x35: {  	s10 =	sld [smem:$0x3FB6];
	_ =	sdelay $0x3  }
0x36: {  	p1 =	seq.s32 s10, $0x1;
	s10 =	sld [smem:$0x3FB7];
	_ =	sdelay $0x3  }
0x37: {  	[smem:$0x3FB7] =	sst s10  }
0x38: {  	s10 =	sld [smem:$0x3FB8]  }
0x39: {  	_ = 	snop;
	(pc) =	sbr.ind lr, $3  }
0x3a: {  	_ = 	snop  }
0x3b: {  	_ = 	snop  }
0x3c: {  	p2 =	seq.s32 s10, $0x1;
	s10 =	sld [smem:$0x3FB7]  }
0x3d: {  	_ =	shalt  }
0x3e: {  	_ =	shalt  }
0x3f: {  	_ =	shalt  }
0x40: {  	_ =	shalt  }
0x41: {  	_ =	shalt  }
0x42: {  	_ =	shalt  }
0x43: {  	_ =	shalt  }
0x44: {  	_ =	shalt  }
0x45: {  	_ =	shalt  }
0x46: {  	_ =	shalt  }
0x47: {  	_ =	shalt  }
0x48: {  	_ =	shalt  }
0x49: {  	_ =	shalt  }
0x4a: {  	_ =	shalt  }
0x4b: {  	_ =	shalt  }
0x4c: {  	_ =	shalt  }
0x4d: {  	_ =	shalt  }
0x4e: {  	_ =	shalt  }
0x4f: {  	_ =	shalt  }
0x50: {  	_ =	shalt  }
0x51: {  	_ =	shalt  }
0x52: {  	_ =	shalt  }
0x53: {  	_ =	shalt  }
0x54: {  	_ =	shalt  }
0x55: {  	_ =	shalt  }
0x56: {  	_ =	shalt  }
0x57: {  	_ =	shalt  }
0x58: {  	_ =	shalt  }
0x59: {  	_ =	shalt  }
0x5a: {  	_ =	shalt  }
0x5b: {  	_ =	shalt  }
0x5c: {  	_ =	shalt  }
0x5d: {  	_ =	shalt  }
0x5e: {  	_ =	shalt  }
0x5f: {  	_ =	shalt  }
0x60: {  	_ =	shalt  }
0x61: {  	_ =	shalt  }
0x62: {  	_ =	shalt  }
0x63: {  	_ =	shalt  }
0x64: {  	_ =	shalt  }
0x65: {  	_ =	shalt  }
0x66: {  	_ =	shalt  }
0x67: {  	_ =	shalt  }
0x68: {  	_ =	shalt  }
0x69: {  	_ =	shalt  }
0x6a: {  	_ =	shalt  }
0x6b: {  	_ =	shalt  }
0x6c: {  	_ =	shalt  }
0x6d: {  	_ =	shalt  }
0x6e: {  	_ =	shalt  }
0x6f: {  	_ =	shalt  }
0x70: {  	_ =	shalt  }
0x71: {  	_ =	shalt  }
0x72: {  	_ =	shalt  }
0x73: {  	_ =	shalt  }
0x74: {  	_ =	shalt  }
0x75: {  	_ =	shalt  }
0x76: {  	_ =	shalt  }
0x77: {  	_ =	shalt  }
0x78: {  	_ =	shalt  }
0x79: {  	_ =	shalt  }
0x7a: {  	_ =	shalt  }
0x7b: {  	_ =	shalt  }
0x7c: {  	_ =	shalt  }
0x7d: {  	_ =	shalt  }
0x7e: {  	_ =	shalt  }
0x7f: {  	_ =	shalt  }
0x80: {  	_ =	shalt  }
0x81: {  	_ =	shalt  }
0x82: {  	_ =	shalt  }
0x83: {  	_ =	shalt  }
0x84: {  	_ =	shalt  }
0x85: {  	_ =	shalt  }
0x86: {  	_ =	shalt  }
0x87: {  	_ =	shalt  }
.Lfunc_end0:
.L_simem_size_0:
called_computation_lowered:
.L_overlay_start_0:
0x88: {  	s2 =	sld [smem:$0x3FD9]  }
0x89: {  	s3 =	sld [smem:$0x3FFE];
	_ =	sdelay $0x1  }
0x8a: {  	s1 =	srdreg.scid  }
0x8b: {  	s0 =	sand.u32 $0x1, s1  }
0x8c: {  	s16 =	sshll.u32 s0, $0xA;
	s2 =	sadd.s32 s3, s2  }
0x8d: {  	s2 =	sadd.s32 s2, s16  }
0x8e: {  	[smem:$0x3FC3] =	sst s2  }
0x8f: {  	_ = 	snop  }
0x90: {  	(tm) =	ssettm $0x1  }
0x91: {  	s17 =	sld [smem:$0x3FFB];
	_ =	sdelay $0x3  }
0x92: {  	_ =	strace s17  }
0x93: {  	s2 =	sld [smem:$0x3FFC];
	_ =	sdelay $0x3  }
0x94: {  	_ =	strace s2  }
0x95: {  	s2 =	sld [smem:$0x3FFD];
	_ =	sdelay $0x3  }
0x96: {  	_ =	strace s2  }
0x97: {  	_ =	strace $0x8FFFFFFF  }
0x98: {  	s18 =	sld [smem:$0x3FDB];
	_ =	sdelay $0x1  }
0x99: {  	s19 =	simm.s32 $_scs_section_size  }
0x9a: {  	s4 =	simm.s32 $_size__tile_overlayer_lowered;
	s5 =	simm.s32 $_tile_overlayer_lowered  }
0x9b: {  	s22 =	simm.s32 $0x1BFF;
	s21 =	sshll.u32 s5, $0x1;
	s2 =	sadd.s32 s19, s18  }
0x9c: {  	s6 =	simm.s32 $0x0;
	s20 =	sshll.u32 s4, $0x1;
	s4 =	sadd.s32 s21, s2  }
0x9d: {  	[timem:s6], [sflag:s22] =	dma.local [hbm:s4], s20  }
0x9e: {  	_ =	swait.ge [sflag:s22], s20  }
0x9f: {  	s3 =	ssub.s32 $0x0, s20;
	[sflag:s22] =	ssyncset.done $0x0  }
0xa0: {  	[sflag:s22] =	ssyncadd.s32 s3;
	_ =	sdelay $0x1  }
0xa1: {  	s23 =	simm.s32 $0x1B8B  }
0xa2: {  	_ =	swait.ge [sflag:s23], $0x1  }
0xa3: {  	[sflag:s23] =	ssyncset.done $0x0  }
0xa4: {  	s25 =	simm.s32 $0x1B8E;
	s24 =	sld [smem:$0x3FFE];
	[sflag:s23] =	ssyncadd.s32 $0xFFFFFFFF  }
0xa5: {  	s26 =	simm.s32 $execute0_lowered;
	[smem:$0x3FD2] =	sst s25  }
0xa6: {  	s4 =	sshll.u32 s26, $0x1;
	_ =	strace $0x80000046;
	[dreg:$0x1] =	wrdreg $0xFFFFFFFF  }
0xa7: {  	s28 =	simm.s32 $_size_execute0_lowered;
	s2 =	sadd.s32 s2, s4;
	[dreg:$0x0] =	wrdreg $0x0  }
0xa8: {  	s4 =	sshll.u32 s28, $0x1;
	[dreg:$0x2] =	wrdreg s2  }
0xa9: {  	[dreg:$0x3] =	wrdreg s4  }
0xaa: {  	[dreg:$0x4] =	wrdreg $0xC0  }
0xab: {  	_ =	task [dreg:s6], $0x5FFFF  }
0xac: {  	[dreg:$0x1] =	wrdreg $0xFFFFFFFF  }
0xad: {  	[dreg:$0x0] =	wrdreg $0x60  }
0xae: {  	[dreg:$0x2] =	wrdreg s24  }
0xaf: {  	[dreg:$0x3] =	wrdreg $0x9  }
0xb0: {  	_ =	task.clear_ibuf [dreg:s6], $0x4FFFF;
	_ =	strace $0x90000046  }
0xb1: {  	s29 =	simm.s32 $0x9;
	_ =	strace $0x80000048  }
0xb2: {  	_ =	swait.ge [sflag:s29], $0x1  }
0xb3: {  	[sflag:s29] =	ssyncadd.s32 $0xFFFFFFFF  }
0xb4: {  	_ =	strace $0x90000048  }
0xb5: {  	_ =	sfence  }
0xb6: {  	s30 =	sld [smem:$0x0];
	_ =	sdelay $0x2  }
0xb7: {  	s31 =	sshll.u32 s1, $0xD;
	s1 =	sshrl.u32 s1, $0x2  }
0xb8: {  	s3 =	sand.u32 $0x4000, s31;
	s1 =	sadd.s32 s1, s30  }
0xb9: {  	s0 =	sor.u32 s3, s0;
	s1 =	sshll.u32 s1, $0x11  }
0xba: {  	s0 =	sor.u32 s1, s0  }
0xbb: {  	s0 =	sadd.s32 $0x8F2B, s0  }
0xbc: {  	[sflag:s0] =	ssyncadd.remote.s32 $0x1  }
0xbd: {  	_ =	sfence.sel $0xFFFF  }
0xbe: {  	[dreg:$0x0] =	wrdreg $0xFFFFFFFF;
	(pc) =	sbr.abs _section_cstart, $3  }
0xbf: {  	[dreg:$0x1] =	wrdreg $0xFFFFFFFF  }
0xc0: {  	_ =	task.clear_ibuf [dreg:s6], $0x2FFFF;
	_ =	strace $0x9FFFFFFF  }
0xc1: {  	(tm) =	ssettm $0x7FFFFFFF  }
tec
execute0_lowered:
.L_overlay_start_1:
0x0: {  	(tag) =	ssettag $0x1  }
0x1: {  	s0 =	srdreg.scid  }
0x2: {  	s4 =	rddreg [dreg:$0x0];
	s2 =	simm.s32 $0x0;
	s3 =	sand.u32 $0x1, s0  }
0x3: {  	s8 =	simm.s32 $0x80;
	s0 =	stileid.u32;
	s1 =	sshll.u32 s3, $0x4  }
0x4: {  	s9 =	simm.s32 $0x400;
	s10 =	simm.s32 $0x2;
	s5 =	sor.u32 s0, s1  }
0x5: {  	s11 =	simm.s32 $0x0;
	[smem:$0x7FF] =	sst s2;
	s6 =	sshrl.u32 s5, $0x3  }
0x6: {  	s7 =	sshll.u32 s0, $0x7;
	s3 =	ssub.s32 $0x2, s3;
	s6 =	smul.u32 $0x13C00, s6  }
0x7: {  	s1 =	rddreg [dreg:$0x1];
	s7 =	sand.u32 $0x380, s7;
	s5 =	smul.u32 $0x4E2, s5  }
0x8: {  	_ =	strace $0x80000047;
	s30 =	sshrl.u32 s3, $0x1;
	s6 =	sor.u32 s7, s6  }
0x9: {  	s31 =	ssub.s32 s3, s30;
	s5 =	sadd.s32 s5, s4;
	s6 =	sshrl.u32 s6, $0x3  }
0xa: {  	s3 =	sadd.s32 $0xA00, s5;
	s5 =	smax.u32 s31, $0x1;
	s4 =	sadd.s32 s6, s4  }
0xb: {  	v0 =	vimm.f32 $0.0e+00;
	v1 =	vimm.f32 $1.000000000e+00;
	s7 =	simm.s32 $0x2780;
	s6 =	simm.s32 $0x1;
	s4 =	sadd.s32 $0x14600, s4  }
.LBB2_1:
0xc: {  	[tilespmem:s2], [sflag:$0x1] =	stream.linear.gather [hbm4b:s3+s2], $0x2710, $0x38;
	[tilespmem:$0x4F00] =	vst v63  }
0xd: {  	s12 =	simm.s32 $0x27C0  }
0xe: {  	[tilespmem:s12+$0xFFFFFFC0] =	vst v0  }
0xf: {  	[tilespmem:s12+$0x30] =	vst v0  }
0x10: {  	[tilespmem:s12+$0x20] =	vst v0  }
0x11: {  	[tilespmem:s12+$0x10] =	vst v0  }
0x12: {  	[tilespmem:s12+$0x0] =	vst v0  }
0x13: {  	[tilespmem:s12+$0xFFFFFFF0] =	vst v0  }
0x14: {  	s13 =	simm.s32 $0x0;
	[tilespmem:s12+$0xFFFFFFE0] =	vst v0  }
.LBB2_2:
0x15: {  	s13 =	sadd.s32 $0x8, s13;
	[tilespmem:s12+$0xFFFFFFD0] =	vst v0;
	s12 =	sadd.s32 $0x80, s12  }
0x16: {  	[tilespmem:s12+$0xFFFFFFC0] =	vst v0;
	p0 =	slt.u32 s13, $0x268  }
0x17: {  	[tilespmem:s12+$0x30] =	vst v0  }
.Ltmp0:
0x18: {  	[tilespmem:s12+$0x20] =	vst v0;
	(pc) =	sbr.rel @p0 .LBB2_2-.Ltmp0, $4  }
0x19: {  	[tilespmem:s12+$0x10] =	vst v0  }
0x1a: {  	[tilespmem:s12+$0x0] =	vst v0  }
0x1b: {  	[tilespmem:s12+$0xFFFFFFF0] =	vst v0  }
0x1c: {  	[tilespmem:s12+$0xFFFFFFE0] =	vst v0  }
0x1d: {  	[tilespmem:s12+$0xFFFFFFD0] =	vst v0  }
0x1e: {  	[tilespmem:$0x4E80] =	vst v0  }
0x1f: {  	_ =	swait.ge [sflag:s6], $0x2710  }
0x20: {  	[sflag:s6] =	ssyncset.done $0x0  }
0x21: {  	s12 =	simm.s32 $0x100;
	[sflag:s6] =	ssyncadd.s32 $0xFFFFD8F0  }
0x22: {  	v2 =	vld [tilespmem:s12+$0xFFFFFFA0]  }
0x23: {  	v3 =	vld [tilespmem:s12+$0x60]  }
0x24: {  	v4 =	vld [tilespmem:s12+$0x70]  }
0x25: {  	v5 =	vld [tilespmem:s12+$0xFFFFFF00]  }
0x26: {  	v6 =	vld [tilespmem:s12+$0xF0]  }
0x27: {  	v7 =	vld [tilespmem:s12+$0xE0]  }
0x28: {  	v8 =	vld [tilespmem:s12+$0x90]  }
0x29: {  	v9 =	vld [tilespmem:s12+$0x80]  }
0x2a: {  	v10 =	vld [tilespmem:s12+$0xD0]  }
0x2b: {  	v11 =	vld [tilespmem:s12+$0xC0]  }
0x2c: {  	v12 =	vld [tilespmem:s12+$0xFFFFFF80]  }
0x2d: {  	v50 =	vld [tilespmem:s12+$0xB0]  }
0x2e: {  	v51 =	vld [tilespmem:s12+$0xA0]  }
0x2f: {  	v52 =	vld [tilespmem:s12+$0xFFFFFF40]  }
0x30: {  	v53 =	vld [tilespmem:s12+$0xFFFFFF50]  }
0x31: {  	v54 =	vld [tilespmem:s12+$0xFFFFFF60]  }
0x32: {  	v13 =	vld [tilespmem:s12+$0xFFFFFF70]  }
0x33: {  	v55 =	vld [tilespmem:s12+$0x50]  }
0x34: {  	v56 =	vld [tilespmem:s12+$0x40]  }
0x35: {  	v57 =	vld [tilespmem:s12+$0x30]  }
0x36: {  	v58 =	vld [tilespmem:s12+$0xFFFFFF90]  }
0x37: {  	v14 =	vld [tilespmem:s12+$0xFFFFFF20]  }
0x38: {  	v15 =	vld [tilespmem:s12+$0xFFFFFF30]  }
0x39: {  	v59 =	vld [tilespmem:s12+$0x10]  }
0x3a: {  	v60 =	vld [tilespmem:s12+$0x0]  }
0x3b: {  	v61 =	vld [tilespmem:s12+$0xFFFFFFF0]  }
0x3c: {  	v62 =	vld [tilespmem:s12+$0xFFFFFFE0]  }
0x3d: {  	v63 =	vld [tilespmem:s12+$0xFFFFFFD0]  }
0x3e: {  	v16 =	vld [tilespmem:s12+$0xFFFFFFC0]  }
0x3f: {  	v17 =	vld [tilespmem:s12+$0xFFFFFFB0]  }
0x40: {  	[tilespmem:v5+s7+$0x0] =	vst.idx.add.f32.msk $0xffff, v1  }
0x41: {  	[tilespmem:v6+s7+$0x0] =	vst.idx.add.f32.msk $0xffff, v1  }
0x42: {  	[tilespmem:v7+s7+$0x0] =	vst.idx.add.f32.msk $0xffff, v1  }
0x43: {  	[tilespmem:v10+s7+$0x0] =	vst.idx.add.f32.msk $0xffff, v1  }
0x44: {  	[tilespmem:v11+s7+$0x0] =	vst.idx.add.f32.msk $0xffff, v1  }
0x45: {  	[tilespmem:v50+s7+$0x0] =	vst.idx.add.f32.msk $0xffff, v1  }
0x46: {  	[tilespmem:v51+s7+$0x0] =	vst.idx.add.f32.msk $0xffff, v1  }
0x47: {  	[tilespmem:v8+s7+$0x0] =	vst.idx.add.f32.msk $0xffff, v1  }
0x48: {  	[tilespmem:v9+s7+$0x0] =	vst.idx.add.f32.msk $0xffff, v1  }
0x49: {  	[tilespmem:v4+s7+$0x0] =	vst.idx.add.f32.msk $0xffff, v1  }
0x4a: {  	[tilespmem:v3+s7+$0x0] =	vst.idx.add.f32.msk $0xffff, v1  }
0x4b: {  	[tilespmem:v55+s7+$0x0] =	vst.idx.add.f32.msk $0xffff, v1  }
0x4c: {  	[tilespmem:v56+s7+$0x0] =	vst.idx.add.f32.msk $0xffff, v1  }
0x4d: {  	[tilespmem:v57+s7+$0x0] =	vst.idx.add.f32.msk $0xffff, v1  }
0x4e: {  	[tilespmem:v58+s7+$0x0] =	vst.idx.add.f32.msk $0xffff, v1  }
0x4f: {  	v3 =	vld [tilespmem:s12+$0x20]  }
0x50: {  	[tilespmem:v59+s7+$0x0] =	vst.idx.add.f32.msk $0xffff, v1  }
0x51: {  	[tilespmem:v60+s7+$0x0] =	vst.idx.add.f32.msk $0xffff, v1  }
0x52: {  	[tilespmem:v61+s7+$0x0] =	vst.idx.add.f32.msk $0xffff, v1  }
0x53: {  	[tilespmem:v62+s7+$0x0] =	vst.idx.add.f32.msk $0xffff, v1  }
0x54: {  	[tilespmem:v63+s7+$0x0] =	vst.idx.add.f32.msk $0xffff, v1  }
0x55: {  	[tilespmem:v16+s7+$0x0] =	vst.idx.add.f32.msk $0xffff, v1  }
0x56: {  	[tilespmem:v17+s7+$0x0] =	vst.idx.add.f32.msk $0xffff, v1  }
0x57: {  	[tilespmem:v2+s7+$0x0] =	vst.idx.add.f32.msk $0xffff, v1  }
0x58: {  	v2 =	vld [tilespmem:s12+$0xFFFFFF10]  }
0x59: {  	[tilespmem:v12+s7+$0x0] =	vst.idx.add.f32.msk $0xffff, v1  }
0x5a: {  	[tilespmem:v13+s7+$0x0] =	vst.idx.add.f32.msk $0xffff, v1  }
0x5b: {  	[tilespmem:v54+s7+$0x0] =	vst.idx.add.f32.msk $0xffff, v1  }
0x5c: {  	[tilespmem:v53+s7+$0x0] =	vst.idx.add.f32.msk $0xffff, v1  }
0x5d: {  	[tilespmem:v52+s7+$0x0] =	vst.idx.add.f32.msk $0xffff, v1  }
0x5e: {  	[tilespmem:v15+s7+$0x0] =	vst.idx.add.f32.msk $0xffff, v1  }
0x5f: {  	[tilespmem:v14+s7+$0x0] =	vst.idx.add.f32.msk $0xffff, v1  }
0x60: {  	s13 =	simm.s32 $0x0;
	[tilespmem:v3+s7+$0x0] =	vst.idx.add.f32.msk $0xffff, v1  }
.LBB2_4:
0x61: {  	s13 =	sadd.s32 $0x20, s13;
	[tilespmem:v2+s7+$0x0] =	vst.idx.add.f32.msk $0xffff, v1;
	s12 =	sadd.s32 $0x200, s12  }
0x62: {  	v2 =	vld [tilespmem:s12+$0xFFFFFFA0];
	p0 =	slt.u32 s13, $0x240  }
0x63: {  	v3 =	vld [tilespmem:s12+$0x60]  }
0x64: {  	v4 =	vld [tilespmem:s12+$0x70]  }
0x65: {  	v5 =	vld [tilespmem:s12+$0xFFFFFF00]  }
0x66: {  	v6 =	vld [tilespmem:s12+$0xF0]  }
0x67: {  	v7 =	vld [tilespmem:s12+$0xE0]  }
0x68: {  	v8 =	vld [tilespmem:s12+$0x90]  }
0x69: {  	v9 =	vld [tilespmem:s12+$0x80]  }
0x6a: {  	v10 =	vld [tilespmem:s12+$0xD0]  }
0x6b: {  	v11 =	vld [tilespmem:s12+$0xC0]  }
0x6c: {  	v12 =	vld [tilespmem:s12+$0xFFFFFF80]  }
0x6d: {  	[tilespmem:v5+s7+$0x0] =	vst.idx.add.f32.msk $0xffff, v1  }
0x6e: {  	[tilespmem:v6+s7+$0x0] =	vst.idx.add.f32.msk $0xffff, v1  }
0x6f: {  	[tilespmem:v7+s7+$0x0] =	vst.idx.add.f32.msk $0xffff, v1  }
0x70: {  	v5 =	vld [tilespmem:s12+$0xB0]  }
0x71: {  	v6 =	vld [tilespmem:s12+$0xA0]  }
0x72: {  	[tilespmem:v10+s7+$0x0] =	vst.idx.add.f32.msk $0xffff, v1  }
0x73: {  	[tilespmem:v11+s7+$0x0] =	vst.idx.add.f32.msk $0xffff, v1  }
0x74: {  	v7 =	vld [tilespmem:s12+$0xFFFFFF40]  }
0x75: {  	v10 =	vld [tilespmem:s12+$0xFFFFFF50]  }
0x76: {  	v11 =	vld [tilespmem:s12+$0xFFFFFF60]  }
0x77: {  	v13 =	vld [tilespmem:s12+$0xFFFFFF70]  }
0x78: {  	[tilespmem:v5+s7+$0x0] =	vst.idx.add.f32.msk $0xffff, v1  }
0x79: {  	[tilespmem:v6+s7+$0x0] =	vst.idx.add.f32.msk $0xffff, v1  }
0x7a: {  	[tilespmem:v8+s7+$0x0] =	vst.idx.add.f32.msk $0xffff, v1  }
0x7b: {  	[tilespmem:v9+s7+$0x0] =	vst.idx.add.f32.msk $0xffff, v1  }
0x7c: {  	v5 =	vld [tilespmem:s12+$0x50]  }
0x7d: {  	v6 =	vld [tilespmem:s12+$0x40]  }
0x7e: {  	v8 =	vld [tilespmem:s12+$0x30]  }
0x7f: {  	v9 =	vld [tilespmem:s12+$0xFFFFFF90]  }
0x80: {  	v14 =	vld [tilespmem:s12+$0xFFFFFF20]  }
0x81: {  	v15 =	vld [tilespmem:s12+$0xFFFFFF30]  }
0x82: {  	[tilespmem:v4+s7+$0x0] =	vst.idx.add.f32.msk $0xffff, v1  }
0x83: {  	[tilespmem:v3+s7+$0x0] =	vst.idx.add.f32.msk $0xffff, v1  }
0x84: {  	[tilespmem:v5+s7+$0x0] =	vst.idx.add.f32.msk $0xffff, v1  }
0x85: {  	[tilespmem:v6+s7+$0x0] =	vst.idx.add.f32.msk $0xffff, v1  }
0x86: {  	[tilespmem:v8+s7+$0x0] =	vst.idx.add.f32.msk $0xffff, v1  }
0x87: {  	[tilespmem:v9+s7+$0x0] =	vst.idx.add.f32.msk $0xffff, v1  }
0x88: {  	v3 =	vld [tilespmem:s12+$0x20]  }
0x89: {  	v4 =	vld [tilespmem:s12+$0x10]  }
0x8a: {  	v5 =	vld [tilespmem:s12+$0x0]  }
0x8b: {  	v6 =	vld [tilespmem:s12+$0xFFFFFFF0]  }
0x8c: {  	v8 =	vld [tilespmem:s12+$0xFFFFFFE0]  }
0x8d: {  	v9 =	vld [tilespmem:s12+$0xFFFFFFD0]  }
0x8e: {  	v16 =	vld [tilespmem:s12+$0xFFFFFFC0]  }
0x8f: {  	v17 =	vld [tilespmem:s12+$0xFFFFFFB0]  }
0x90: {  	[tilespmem:v3+s7+$0x0] =	vst.idx.add.f32.msk $0xffff, v1  }
0x91: {  	[tilespmem:v4+s7+$0x0] =	vst.idx.add.f32.msk $0xffff, v1  }
0x92: {  	[tilespmem:v5+s7+$0x0] =	vst.idx.add.f32.msk $0xffff, v1  }
0x93: {  	[tilespmem:v6+s7+$0x0] =	vst.idx.add.f32.msk $0xffff, v1  }
0x94: {  	[tilespmem:v8+s7+$0x0] =	vst.idx.add.f32.msk $0xffff, v1  }
0x95: {  	[tilespmem:v9+s7+$0x0] =	vst.idx.add.f32.msk $0xffff, v1  }
0x96: {  	[tilespmem:v16+s7+$0x0] =	vst.idx.add.f32.msk $0xffff, v1  }
0x97: {  	[tilespmem:v17+s7+$0x0] =	vst.idx.add.f32.msk $0xffff, v1  }
0x98: {  	[tilespmem:v2+s7+$0x0] =	vst.idx.add.f32.msk $0xffff, v1  }
0x99: {  	v2 =	vld [tilespmem:s12+$0xFFFFFF10]  }
0x9a: {  	[tilespmem:v12+s7+$0x0] =	vst.idx.add.f32.msk $0xffff, v1  }
0x9b: {  	[tilespmem:v13+s7+$0x0] =	vst.idx.add.f32.msk $0xffff, v1  }
.Ltmp1:
0x9c: {  	[tilespmem:v11+s7+$0x0] =	vst.idx.add.f32.msk $0xffff, v1;
	(pc) =	sbr.rel @p0 .LBB2_4-.Ltmp1, $4  }
0x9d: {  	[tilespmem:v10+s7+$0x0] =	vst.idx.add.f32.msk $0xffff, v1  }
0x9e: {  	[tilespmem:v7+s7+$0x0] =	vst.idx.add.f32.msk $0xffff, v1  }
0x9f: {  	[tilespmem:v15+s7+$0x0] =	vst.idx.add.f32.msk $0xffff, v1  }
0xa0: {  	[tilespmem:v14+s7+$0x0] =	vst.idx.add.f32.msk $0xffff, v1  }
0xa1: {  	_ =	sdelay $0x3  }
0xa2: {  	[tilespmem:v2+s7+$0x0] =	vst.idx.add.f32.msk $0xffff, v1;
	s12 =	simm.s32 $0x0  }
.LBB2_6:
0xa3: {  	s13 =	sshra.s32 s12, $0x2  }
0xa4: {  	v2 =	vld [tilespmem:s13+$0x2600];
	_ =	sdelay $0x2  }
0xa5: {  	p0 =	sne.s32 s12, $0x400  }
.Ltmp2:
0xa6: {  	_ = 	snop;
	(pc) =	sbr.rel @p0 .LBB2_6-.Ltmp2, $2  }
0xa7: {  	_ =	sdelay $0x2  }
0xa8: {  	s12 =	sadd.s32 $0x40, s12;
	[tilespmem:v2+s7+$0x0] =	vst.idx.add.f32.msk $0xffff, v1  }
0xa9: {  	s11 =	sadd.s32 $0x1, s11  }
0xaa: {  	p0 =	sne.s32 s11, s5  }
.Ltmp3:
0xab: {  	_ = 	snop;
	(pc) =	sbr.rel @p0 .LBB2_1-.Ltmp3, $4  }
0xac: {  	[hbm4b:s4+s8] =	stream.strided.scatter [tilespmem:s7], [sflag:$0x2], $0x2780, s9, s8, $0x38;
	[tilespmem:$0x4F00] =	vst v63  }
0xad: {  	_ =	swait.ge [sflag:s10], $0x2780  }
0xae: {  	[sflag:s10] =	ssyncset.done $0x0  }
0xaf: {  	[sflag:s10] =	ssyncadd.s32 $0xFFFFD880  }
0xb0: {  	_ =	sfence.sel $0x180000  }
0xb1: {  	[bflag:$0x0] =	sbarrier.arrive $0xFFFF  }
0xb2: {  	p0 =	sne.s32 s0, $0x0;
	_ =	strace $0x90000047  }
0xb3: {  	s0 =	sadd.s32 @!p0 $0x100000, s1;
	[bflag:$0x2] =	sbarrier.arrive $0xFFFF  }
0xb4: {  	[sflag:s0] =	ssyncadd.tile.s32 @!p0 $0x1;
	_ =	shalt  }
.Lfunc_end2:
_tile_overlayer_lowered:
.L_overlay_start_2:
0xb5: {  	(tag) =	ssettag $0x2  }
0xb6: {  	s0 =	rddreg [dreg:$0x0];
	s2 =	stileid.u32  }
0xb7: {  	s1 =	rddreg [dreg:$0x1];
	p0 =	sne.s32 s2, $0x0  }
0xb8: {  	s3 =	rddreg [dreg:$0x2];
	[bflag:$0x3] =	sbarrier.arrive $0xFFFF;
	s2 =	simm.s32 @!p0 $0x1C02  }
0xb9: {  	[timem:s3], [sflag:s2] =	dma.local @!p0 [hbm:s0], s1  }
0xba: {  	s0 =	simm.s32 @!p0 $0x2  }
0xbb: {  	_ =	swait.ge @!p0 [sflag:s0], s1  }
0xbc: {  	s1 =	ssub.s32 @!p0 $0x0, s1;
	[sflag:s0] =	ssyncset.done @!p0 $0x0  }
0xbd: {  	[sflag:s0] =	ssyncadd.s32 @!p0 s1  }
0xbe: {  	[bflag:$0x3] =	sbarrier.arrive $0xFFFF  }
0xbf: {  	_ =	shalt  }

// kernel: kernel.9.cloned.1.call-start
scs
__scs_entry_jumppad:
0x0: {  	(pc) =	sbr.rel $0x88, $3  }
0x1: {  	(tag) =	ssettag $0x0;
	lr =	simm.s32 $0x1  }
0x2: {  	[smem:$0x3F9C] =	sst lr;
	_ =	strace $0xD0000000  }
0x3: {  	_ = 	snop  }
0x4: {  	_ = 	snop  }
0x5: {  	_ = 	snop  }
0x6: {  	_ = 	snop  }
0x7: {  	_ = 	snop  }
__scs_overlays_trampoline_lowered:
0x8: {  	[smem:$0x3FAB] =	sst s0  }
0x9: {  	[smem:$0x3FAC] =	sst s1  }
0xa: {  	[smem:$0x3FAD] =	sst s2  }
0xb: {  	[smem:$0x3FAE] =	sst s3  }
0xc: {  	[smem:$0x3FAF] =	sst s4  }
0xd: {  	[smem:$0x3FB0] =	sst s5  }
0xe: {  	[smem:$0x3FB1] =	sst s6  }
0xf: {  	[smem:$0x3FB2] =	sst s7  }
0x10: {  	[smem:$0x3FB3] =	sst s8  }
0x11: {  	[smem:$0x3FB4] =	sst s9;
	s0 =	simm.s32 @!p0 $0x0  }
0x12: {  	s1 =	sld [smem:$0x3F9A];
	s0 =	simm.s32 @p0 $0x1  }
0x13: {  	[smem:$0x3FB5] =	sst s0;
	s0 =	simm.s32 @!p1 $0x0  }
0x14: {  	s2 =	sld [smem:$0x3F99];
	s0 =	simm.s32 @p1 $0x1  }
0x15: {  	[smem:$0x3FB6] =	sst s0;
	s0 =	simm.s32 @!p2 $0x0  }
0x16: {  	s3 =	sld [smem:$0x3FDB];
	s0 =	simm.s32 @p2 $0x1  }
0x17: {  	s4 =	simm.s32 $0x1BF5;
	[smem:$0x3FB8] =	sst s0  }
0x18: {  	s0 =	sld [smem:$0x3F9B];
	_ =	swait.ge [sflag:s4], $0x0  }
0x19: {  	s7 =	sld [smem:$0x3F9C]  }
0x1a: {  	s8 =	sadd.s32 $0xFFFFE003, lr  }
0x1b: {  	s9 =	sadd.s32 $0xFFFFFEF7, lr;
	s5 =	simm.s32 $0xFFFFFFFF;
	p2 =	slt.u32 s8, $0xFFFFF086  }
0x1c: {  	p1 =	slt.u32 s9, $0xF7A;
	s5 =	simm.s32 @!p2 $0x0  }
0x1d: {  	s5 =	simm.s32 @p1 $0x1;
	p0 =	seq.s32 s7, s2  }
0x1e: {  	s7 =	smul.u32 @!p0 $0xF7A, s2;
	p2 =	seq.s32 @!p0 s5, $0x0  }
0x1f: {  	s9 =	smul.u32 $0xF7A, s1;
	s8 =	simm.s32 @!p0 $0x1BF5;
	p2 =	por !p2, p0  }
0x20: {  	[sflag:s8] =	ssyncset.s32 @!p0 $0xFFFFF086;
	s6 =	sadd.s32 @!p0 s3, s7;
	s7 =	simm.s32 @!p0 $0x108  }
0x21: {  	s3 =	sadd.s32 s3, s9;
	s6 =	sadd.s32 @!p0 $0x88, s6;
	s7 =	simm.s32 @p2 $0x1082  }
0x22: {  	[simem:s7], [sflag:s8] =	dma.local @!p0 [hbm:s6], $0xF7A  }
0x23: {  	s9 =	sor.u32 $0xD0000000, s2;
	s6 =	simm.s32 $0x108;
	_ =	swait.ge @!p0 [sflag:s8], $0x0  }
0x24: {  	s3 =	sadd.s32 $0x88, s3;
	s6 =	simm.s32 @!p1 $0x1082;
	[sflag:s4] =	ssyncset.s32 $0xFFFFF086  }
0x25: {  	[simem:s6], [sflag:s4] =	dma.local [hbm:s3], $0xF7A  }
0x26: {  	[smem:$0x3F9C] =	sst s1;
	(tag) =	ssettag s2;
	_ =	strace s9  }
0x27: {  	s1 =	sld [smem:$0x3FAC]  }
0x28: {  	s2 =	sld [smem:$0x3FAD]  }
0x29: {  	s4 =	sld [smem:$0x3FAF]  }
0x2a: {  	p0 =	seq.s32 s5, $0x0;
	s5 =	sld [smem:$0x3FB0]  }
0x2b: {  	s6 =	sld [smem:$0x3FB1]  }
0x2c: {  	s7 =	sld [smem:$0x3FB2]  }
0x2d: {  	s3 =	simm.s32 $0x108;
	s8 =	sld [smem:$0x3FB3]  }
0x2e: {  	s3 =	simm.s32 @!p0 $0x1082;
	s9 =	sld [smem:$0x3FB4]  }
0x2f: {  	lr =	sadd.s32 s0, s3;
	s0 =	sld [smem:$0x3FAB]  }
0x30: {  	s3 =	sld [smem:$0x3FAE]  }
0x31: {  	[smem:$0x3FB7] =	sst s10  }
0x32: {  	s10 =	sld [smem:$0x3FB5];
	_ =	sdelay $0x3  }
0x33: {  	p0 =	seq.s32 s10, $0x1;
	s10 =	sld [smem:$0x3FB7];
	_ =	sdelay $0x3  }
0x34: {  	[smem:$0x3FB7] =	sst s10  }
0x35: {  	s10 =	sld [smem:$0x3FB6];
	_ =	sdelay $0x3  }
0x36: {  	p1 =	seq.s32 s10, $0x1;
	s10 =	sld [smem:$0x3FB7];
	_ =	sdelay $0x3  }
0x37: {  	[smem:$0x3FB7] =	sst s10  }
0x38: {  	s10 =	sld [smem:$0x3FB8]  }
0x39: {  	_ = 	snop;
	(pc) =	sbr.ind lr, $3  }
0x3a: {  	_ = 	snop  }
0x3b: {  	_ = 	snop  }
0x3c: {  	p2 =	seq.s32 s10, $0x1;
	s10 =	sld [smem:$0x3FB7]  }
0x3d: {  	_ =	shalt  }
0x3e: {  	_ =	shalt  }
0x3f: {  	_ =	shalt  }
0x40: {  	_ =	shalt  }
0x41: {  	_ =	shalt  }
0x42: {  	_ =	shalt  }
0x43: {  	_ =	shalt  }
0x44: {  	_ =	shalt  }
0x45: {  	_ =	shalt  }
0x46: {  	_ =	shalt  }
0x47: {  	_ =	shalt  }
0x48: {  	_ =	shalt  }
0x49: {  	_ =	shalt  }
0x4a: {  	_ =	shalt  }
0x4b: {  	_ =	shalt  }
0x4c: {  	_ =	shalt  }
0x4d: {  	_ =	shalt  }
0x4e: {  	_ =	shalt  }
0x4f: {  	_ =	shalt  }
0x50: {  	_ =	shalt  }
0x51: {  	_ =	shalt  }
0x52: {  	_ =	shalt  }
0x53: {  	_ =	shalt  }
0x54: {  	_ =	shalt  }
0x55: {  	_ =	shalt  }
0x56: {  	_ =	shalt  }
0x57: {  	_ =	shalt  }
0x58: {  	_ =	shalt  }
0x59: {  	_ =	shalt  }
0x5a: {  	_ =	shalt  }
0x5b: {  	_ =	shalt  }
0x5c: {  	_ =	shalt  }
0x5d: {  	_ =	shalt  }
0x5e: {  	_ =	shalt  }
0x5f: {  	_ =	shalt  }
0x60: {  	_ =	shalt  }
0x61: {  	_ =	shalt  }
0x62: {  	_ =	shalt  }
0x63: {  	_ =	shalt  }
0x64: {  	_ =	shalt  }
0x65: {  	_ =	shalt  }
0x66: {  	_ =	shalt  }
0x67: {  	_ =	shalt  }
0x68: {  	_ =	shalt  }
0x69: {  	_ =	shalt  }
0x6a: {  	_ =	shalt  }
0x6b: {  	_ =	shalt  }
0x6c: {  	_ =	shalt  }
0x6d: {  	_ =	shalt  }
0x6e: {  	_ =	shalt  }
0x6f: {  	_ =	shalt  }
0x70: {  	_ =	shalt  }
0x71: {  	_ =	shalt  }
0x72: {  	_ =	shalt  }
0x73: {  	_ =	shalt  }
0x74: {  	_ =	shalt  }
0x75: {  	_ =	shalt  }
0x76: {  	_ =	shalt  }
0x77: {  	_ =	shalt  }
0x78: {  	_ =	shalt  }
0x79: {  	_ =	shalt  }
0x7a: {  	_ =	shalt  }
0x7b: {  	_ =	shalt  }
0x7c: {  	_ =	shalt  }
0x7d: {  	_ =	shalt  }
0x7e: {  	_ =	shalt  }
0x7f: {  	_ =	shalt  }
0x80: {  	_ =	shalt  }
0x81: {  	_ =	shalt  }
0x82: {  	_ =	shalt  }
0x83: {  	_ =	shalt  }
0x84: {  	_ =	shalt  }
0x85: {  	_ =	shalt  }
0x86: {  	_ =	shalt  }
0x87: {  	_ =	shalt  }
.Lfunc_end0:
.L_simem_size_0:
called_computation.1_lowered:
.L_overlay_start_0:
0x88: {  	s2 =	sld [smem:$0x3FD9]  }
0x89: {  	s3 =	sld [smem:$0x3FFE];
	_ =	sdelay $0x1  }
0x8a: {  	s1 =	srdreg.scid  }
0x8b: {  	s0 =	sand.u32 $0x1, s1  }
0x8c: {  	s16 =	sshll.u32 s0, $0xA;
	s2 =	sadd.s32 s3, s2  }
0x8d: {  	s2 =	sadd.s32 s2, s16  }
0x8e: {  	[smem:$0x3FC3] =	sst s2  }
0x8f: {  	_ = 	snop  }
0x90: {  	(tm) =	ssettm $0x1  }
0x91: {  	s17 =	sld [smem:$0x3FFB];
	_ =	sdelay $0x3  }
0x92: {  	_ =	strace s17  }
0x93: {  	s2 =	sld [smem:$0x3FFC];
	_ =	sdelay $0x3  }
0x94: {  	_ =	strace s2  }
0x95: {  	s2 =	sld [smem:$0x3FFD];
	_ =	sdelay $0x3  }
0x96: {  	_ =	strace s2  }
0x97: {  	_ =	strace $0x8FFFFFFF  }
0x98: {  	s18 =	sld [smem:$0x3FDB];
	_ =	sdelay $0x1  }
0x99: {  	s19 =	simm.s32 $_scs_section_size  }
0x9a: {  	s4 =	simm.s32 $_size__tile_overlayer_lowered;
	s5 =	simm.s32 $_tile_overlayer_lowered  }
0x9b: {  	s22 =	simm.s32 $0x1BFF;
	s21 =	sshll.u32 s5, $0x1;
	s2 =	sadd.s32 s19, s18  }
0x9c: {  	s6 =	simm.s32 $0x0;
	s20 =	sshll.u32 s4, $0x1;
	s4 =	sadd.s32 s21, s2  }
0x9d: {  	[timem:s6], [sflag:s22] =	dma.local [hbm:s4], s20  }
0x9e: {  	_ =	swait.ge [sflag:s22], s20  }
0x9f: {  	s3 =	ssub.s32 $0x0, s20;
	[sflag:s22] =	ssyncset.done $0x0  }
0xa0: {  	[sflag:s22] =	ssyncadd.s32 s3;
	_ =	sdelay $0x1  }
0xa1: {  	s23 =	simm.s32 $0x1B8B  }
0xa2: {  	_ =	swait.ge [sflag:s23], $0x1  }
0xa3: {  	[sflag:s23] =	ssyncset.done $0x0  }
0xa4: {  	s25 =	simm.s32 $0x1B8E;
	s24 =	sld [smem:$0x3FFE];
	[sflag:s23] =	ssyncadd.s32 $0xFFFFFFFF  }
0xa5: {  	s26 =	simm.s32 $execute0_lowered;
	[smem:$0x3FD2] =	sst s25  }
0xa6: {  	s4 =	sshll.u32 s26, $0x1;
	_ =	strace $0x80000049;
	[dreg:$0x1] =	wrdreg $0xFFFFFFFF  }
0xa7: {  	s28 =	simm.s32 $_size_execute0_lowered;
	s2 =	sadd.s32 s2, s4;
	[dreg:$0x0] =	wrdreg $0x0  }
0xa8: {  	s4 =	sshll.u32 s28, $0x1;
	[dreg:$0x2] =	wrdreg s2  }
0xa9: {  	[dreg:$0x3] =	wrdreg s4  }
0xaa: {  	[dreg:$0x4] =	wrdreg $0xC0  }
0xab: {  	_ =	task [dreg:s6], $0x5FFFF  }
0xac: {  	[dreg:$0x1] =	wrdreg $0xFFFFFFFF  }
0xad: {  	[dreg:$0x0] =	wrdreg $0x60  }
0xae: {  	[dreg:$0x2] =	wrdreg s24  }
0xaf: {  	[dreg:$0x3] =	wrdreg $0x9  }
0xb0: {  	_ =	task.clear_ibuf [dreg:s6], $0x4FFFF;
	_ =	strace $0x90000049  }
0xb1: {  	s29 =	simm.s32 $0x9;
	_ =	strace $0x8000004B  }
0xb2: {  	_ =	swait.ge [sflag:s29], $0x1  }
0xb3: {  	[sflag:s29] =	ssyncadd.s32 $0xFFFFFFFF  }
0xb4: {  	_ =	strace $0x9000004B  }
0xb5: {  	_ =	sfence  }
0xb6: {  	s30 =	sld [smem:$0x0];
	_ =	sdelay $0x2  }
0xb7: {  	s31 =	sshll.u32 s1, $0xD;
	s1 =	sshrl.u32 s1, $0x2  }
0xb8: {  	s3 =	sand.u32 $0x4000, s31;
	s1 =	sadd.s32 s1, s30  }
0xb9: {  	s0 =	sor.u32 s3, s0;
	s1 =	sshll.u32 s1, $0x11  }
0xba: {  	s0 =	sor.u32 s1, s0  }
0xbb: {  	s0 =	sadd.s32 $0x8F2B, s0  }
0xbc: {  	[sflag:s0] =	ssyncadd.remote.s32 $0x1  }
0xbd: {  	_ =	sfence.sel $0xFFFF  }
0xbe: {  	[dreg:$0x0] =	wrdreg $0xFFFFFFFF;
	(pc) =	sbr.abs _section_cstart, $3  }
0xbf: {  	[dreg:$0x1] =	wrdreg $0xFFFFFFFF  }
0xc0: {  	_ =	task.clear_ibuf [dreg:s6], $0x2FFFF;
	_ =	strace $0x9FFFFFFF  }
0xc1: {  	(tm) =	ssettm $0x7FFFFFFF  }
tec
execute0_lowered:
.L_overlay_start_1:
0x0: {  	(tag) =	ssettag $0x1  }
0x1: {  	s0 =	srdreg.scid  }
0x2: {  	s4 =	rddreg [dreg:$0x0];
	s2 =	simm.s32 $0x0;
	s8 =	simm.s32 $0x4F00  }
0x3: {  	s9 =	simm.s32 $0x2780;
	s10 =	simm.s32 $0x1;
	s11 =	simm.s32 $0x2  }
0x4: {  	s12 =	simm.s32 $0x3;
	s13 =	simm.s32 $0x7680;
	s3 =	sand.u32 $0x1, s0  }
0x5: {  	s14 =	simm.s32 $0x80;
	s0 =	stileid.u32;
	s1 =	sshll.u32 s3, $0x4  }
0x6: {  	s15 =	simm.s32 $0x400;
	s16 =	simm.s32 $0x4;
	s5 =	sor.u32 s0, s1  }
0x7: {  	s17 =	simm.s32 $0x0;
	[smem:$0x7FF] =	sst s2;
	s6 =	sshrl.u32 s5, $0x3  }
0x8: {  	s7 =	sshll.u32 s0, $0x7;
	s30 =	ssub.s32 $0x2, s3;
	s6 =	smul.u32 $0x13C00, s6  }
0x9: {  	s3 =	sadd.s32 $0x14600, s4;
	s1 =	rddreg [dreg:$0x1];
	s7 =	sand.u32 $0x380, s7  }
0xa: {  	s31 =	sshrl.u32 s30, $0x1;
	s5 =	smul.u32 $0x4E2, s5;
	s6 =	sor.u32 s7, s6  }
0xb: {  	_ =	strace $0x8000004A;
	s7 =	ssub.s32 s30, s31;
	s6 =	sshrl.u32 s6, $0x3  }
0xc: {  	s5 =	sadd.s32 s5, s4;
	s7 =	smax.u32 s7, $0x1;
	s6 =	sadd.s32 s6, s4  }
0xd: {  	v0 =	vimm.f32 $0.0e+00;
	s4 =	sadd.s32 $0xA800, s5;
	s5 =	sadd.s32 $0xA00, s5;
	s6 =	sadd.s32 $0x14C00, s6  }
.LBB2_1:
0xe: {  	[tilespmem:s8], [sflag:$0x1] =	stream.linear.gather [hbm4b:s3+s2], $0x2780, $0x38;
	[tilespmem:$0x9E00] =	vst v63  }
0xf: {  	_ = 	snop  }
0x10: {  	[tilespmem:s2], [sflag:$0x2] =	stream.linear.gather [hbm4b:s4+s2], $0x2710, $0x38;
	[tilespmem:$0x9E00] =	vst v63  }
0x11: {  	s18 =	simm.s32 $0x76C0  }
0x12: {  	[tilespmem:s9], [sflag:$0x3] =	stream.linear.gather [hbm4b:s5+s2], $0x2710, $0x38;
	[tilespmem:$0x9E00] =	vst v63  }
0x13: {  	[tilespmem:s18+$0xFFFFFFC0] =	vst v0  }
0x14: {  	[tilespmem:s18+$0x30] =	vst v0  }
0x15: {  	[tilespmem:s18+$0x20] =	vst v0  }
0x16: {  	[tilespmem:s18+$0x10] =	vst v0  }
0x17: {  	[tilespmem:s18+$0x0] =	vst v0  }
0x18: {  	[tilespmem:s18+$0xFFFFFFF0] =	vst v0  }
0x19: {  	s19 =	simm.s32 $0x0;
	[tilespmem:s18+$0xFFFFFFE0] =	vst v0  }
.LBB2_2:
0x1a: {  	s19 =	sadd.s32 $0x8, s19;
	[tilespmem:s18+$0xFFFFFFD0] =	vst v0;
	s18 =	sadd.s32 $0x80, s18  }
0x1b: {  	[tilespmem:s18+$0xFFFFFFC0] =	vst v0;
	p0 =	slt.u32 s19, $0x268  }
0x1c: {  	[tilespmem:s18+$0x30] =	vst v0  }
.Ltmp0:
0x1d: {  	[tilespmem:s18+$0x20] =	vst v0;
	(pc) =	sbr.rel @p0 .LBB2_2-.Ltmp0, $4  }
0x1e: {  	[tilespmem:s18+$0x10] =	vst v0  }
0x1f: {  	[tilespmem:s18+$0x0] =	vst v0  }
0x20: {  	[tilespmem:s18+$0xFFFFFFF0] =	vst v0  }
0x21: {  	[tilespmem:s18+$0xFFFFFFE0] =	vst v0  }
0x22: {  	[tilespmem:s18+$0xFFFFFFD0] =	vst v0  }
0x23: {  	[tilespmem:$0x9D80] =	vst v0  }
0x24: {  	_ =	swait.ge [sflag:s10], $0x2780  }
0x25: {  	[sflag:s10] =	ssyncset.done $0x0  }
0x26: {  	[sflag:s10] =	ssyncadd.s32 $0xFFFFD880  }
0x27: {  	_ =	swait.ge [sflag:s11], $0x2710  }
0x28: {  	[sflag:s11] =	ssyncset.done $0x0  }
0x29: {  	[sflag:s11] =	ssyncadd.s32 $0xFFFFD8F0  }
0x2a: {  	_ =	swait.ge [sflag:s12], $0x2710  }
0x2b: {  	[sflag:s12] =	ssyncset.done $0x0  }
0x2c: {  	s19 =	simm.s32 $0x100;
	[sflag:s12] =	ssyncadd.s32 $0xFFFFD8F0  }
0x2d: {  	v1 =	vld [tilespmem:s19+$0xF0]  }
0x2e: {  	v2 =	vld [tilespmem:s19+$0xFFFFFF10]  }
0x2f: {  	v3 =	vld [tilespmem:s19+$0xFFFFFF20]  }
0x30: {  	v4 =	vld [tilespmem:s19+$0xFFFFFF30]  }
0x31: {  	v5 =	vld [tilespmem:s19+$0xFFFFFF40]  }
0x32: {  	s18 =	simm.s32 $0x2880;
	v6 =	vld [tilespmem:s19+$0xFFFFFF50]  }
0x33: {  	v7 =	vld [tilespmem:s18+$0xF0]  }
0x34: {  	v8 =	vld [tilespmem:s19+$0xFFFFFF60]  }
0x35: {  	v9 =	vld [tilespmem:s19+$0xFFFFFF70]  }
0x36: {  	v10 =	vld [tilespmem:s19+$0xFFFFFF80]  }
0x37: {  	v11 =	vld [tilespmem:s19+$0xFFFFFF90]  }
0x38: {  	v12 =	vld [tilespmem:s19+$0xFFFFFFA0]  }
0x39: {  	v13 =	vld [tilespmem:s19+$0xFFFFFFB0]  }
0x3a: {  	v63 =	vld [tilespmem:s19+$0xFFFFFFD0]  }
0x3b: {  	v14 =	vld [tilespmem:s19+$0xFFFFFFE0]  }
0x3c: {  	v15 =	vld [tilespmem:s19+$0xFFFFFFF0]  }
0x3d: {  	v16 =	vld [tilespmem:s19+$0x0]  }
0x3e: {  	v17 =	vld [tilespmem:s19+$0x10]  }
0x3f: {  	v18 =	vld [tilespmem:s19+$0x20]  }
0x40: {  	v19 =	vld [tilespmem:s19+$0x30]  }
0x41: {  	v20 =	vld [tilespmem:s19+$0x40]  }
0x42: {  	v21 =	vld [tilespmem:s19+$0x50]  }
0x43: {  	v22 =	vld [tilespmem:s19+$0x60]  }
0x44: {  	v23 =	vld [tilespmem:s19+$0x70]  }
0x45: {  	v24 =	vld [tilespmem:s19+$0x80]  }
0x46: {  	v25 =	vld [tilespmem:s19+$0x90]  }
0x47: {  	v26 =	vld [tilespmem:s19+$0xA0]  }
0x48: {  	v27 =	vld [tilespmem:s19+$0xB0]  }
0x49: {  	v28 =	vld [tilespmem:s19+$0xC0]  }
0x4a: {  	v29 =	vld [tilespmem:s19+$0xD0]  }
0x4b: {  	v30 =	vld [tilespmem:s19+$0xE0]  }
0x4c: {  	v31 =	vld [tilespmem:s19+$0xFFFFFF00]  }
0x4d: {  	v32 =	vld [tilespmem:s18+$0xFFFFFF00]  }
0x4e: {  	v33 =	vld [tilespmem:s18+$0xFFFFFF10]  }
0x4f: {  	v34 =	vld [tilespmem:s18+$0xFFFFFF20]  }
0x50: {  	v35 =	vld [tilespmem:s18+$0xFFFFFF30]  }
0x51: {  	v36 =	vld [tilespmem:s18+$0xFFFFFF40]  }
0x52: {  	v37 =	vld [tilespmem:s18+$0xFFFFFF50]  }
0x53: {  	v38 =	vld [tilespmem:s18+$0xFFFFFF60]  }
0x54: {  	v39 =	vld [tilespmem:s18+$0xFFFFFF70]  }
0x55: {  	v40 =	vld [tilespmem:s18+$0xFFFFFF80]  }
0x56: {  	v41 =	vld [tilespmem:s18+$0xFFFFFF90]  }
0x57: {  	v42 =	vld [tilespmem:s18+$0xFFFFFFA0]  }
0x58: {  	v43 =	vld [tilespmem:s18+$0xFFFFFFB0]  }
0x59: {  	v44 =	vld [tilespmem:s18+$0xFFFFFFC0]  }
0x5a: {  	v45 =	vld [tilespmem:s18+$0xFFFFFFD0]  }
0x5b: {  	v46 =	vld [tilespmem:s18+$0xFFFFFFE0]  }
0x5c: {  	v47 =	vld [tilespmem:s18+$0xFFFFFFF0]  }
0x5d: {  	v48 =	vld [tilespmem:s18+$0x0]  }
0x5e: {  	v49 =	vld [tilespmem:s18+$0x10]  }
0x5f: {  	v50 =	vld [tilespmem:s18+$0x20]  }
0x60: {  	v51 =	vld [tilespmem:s18+$0x30]  }
0x61: {  	v52 =	vld [tilespmem:s18+$0x40]  }
0x62: {  	v53 =	vld [tilespmem:s18+$0x50]  }
0x63: {  	v54 =	vld [tilespmem:s18+$0x60]  }
0x64: {  	v55 =	vld [tilespmem:s18+$0x70]  }
0x65: {  	v56 =	vld [tilespmem:s18+$0x80]  }
0x66: {  	v57 =	vld [tilespmem:s18+$0x90]  }
0x67: {  	v58 =	vld [tilespmem:s18+$0xA0]  }
0x68: {  	v59 =	vld [tilespmem:s18+$0xB0]  }
0x69: {  	v60 =	vld [tilespmem:s18+$0xC0]  }
0x6a: {  	v61 =	vld [tilespmem:s18+$0xD0]  }
0x6b: {  	v62 =	vld [tilespmem:s18+$0xE0]  }
0x6c: {  	v1 =	vld.idx.msk [tilespmem:v1+s8+$0x0], $0xffff  }
0x6d: {  	v2 =	vld.idx.msk [tilespmem:v2+s8+$0x0], $0xffff  }
0x6e: {  	v3 =	vld.idx.msk [tilespmem:v3+s8+$0x0], $0xffff  }
0x6f: {  	v4 =	vld.idx.msk [tilespmem:v4+s8+$0x0], $0xffff  }
0x70: {  	v5 =	vld.idx.msk [tilespmem:v5+s8+$0x0], $0xffff  }
0x71: {  	v6 =	vld.idx.msk [tilespmem:v6+s8+$0x0], $0xffff  }
0x72: {  	v8 =	vld.idx.msk [tilespmem:v8+s8+$0x0], $0xffff  }
0x73: {  	v9 =	vld.idx.msk [tilespmem:v9+s8+$0x0], $0xffff  }
0x74: {  	v31 =	vld.idx.msk [tilespmem:v31+s8+$0x0], $0xffff  }
0x75: {  	v10 =	vld.idx.msk [tilespmem:v10+s8+$0x0], $0xffff  }
0x76: {  	v11 =	vld.idx.msk [tilespmem:v11+s8+$0x0], $0xffff  }
0x77: {  	v12 =	vld.idx.msk [tilespmem:v12+s8+$0x0], $0xffff  }
0x78: {  	v13 =	vld.idx.msk [tilespmem:v13+s8+$0x0], $0xffff  }
0x79: {  	v14 =	vld.idx.msk [tilespmem:v14+s8+$0x0], $0xffff  }
0x7a: {  	v15 =	vld.idx.msk [tilespmem:v15+s8+$0x0], $0xffff  }
0x7b: {  	v16 =	vld.idx.msk [tilespmem:v16+s8+$0x0], $0xffff  }
0x7c: {  	v17 =	vld.idx.msk [tilespmem:v17+s8+$0x0], $0xffff  }
0x7d: {  	v18 =	vld.idx.msk [tilespmem:v18+s8+$0x0], $0xffff  }
0x7e: {  	v19 =	vld.idx.msk [tilespmem:v19+s8+$0x0], $0xffff  }
0x7f: {  	v20 =	vld.idx.msk [tilespmem:v20+s8+$0x0], $0xffff  }
0x80: {  	v21 =	vld.idx.msk [tilespmem:v21+s8+$0x0], $0xffff  }
0x81: {  	v22 =	vld.idx.msk [tilespmem:v22+s8+$0x0], $0xffff  }
0x82: {  	v23 =	vld.idx.msk [tilespmem:v23+s8+$0x0], $0xffff  }
0x83: {  	v24 =	vld.idx.msk [tilespmem:v24+s8+$0x0], $0xffff  }
0x84: {  	v25 =	vld.idx.msk [tilespmem:v25+s8+$0x0], $0xffff  }
0x85: {  	v26 =	vld.idx.msk [tilespmem:v26+s8+$0x0], $0xffff  }
0x86: {  	v27 =	vld.idx.msk [tilespmem:v27+s8+$0x0], $0xffff  }
0x87: {  	v28 =	vld.idx.msk [tilespmem:v28+s8+$0x0], $0xffff  }
0x88: {  	v29 =	vld.idx.msk [tilespmem:v29+s8+$0x0], $0xffff  }
0x89: {  	v30 =	vld.idx.msk [tilespmem:v30+s8+$0x0], $0xffff  }
0x8a: {  	[tilespmem:v7+s13+$0x0] =	vst.idx.add.f32.msk $0xffff, v1  }
0x8b: {  	v1 =	vld [tilespmem:s19+$0xFFFFFFC0]  }
0x8c: {  	v7 =	vld.idx.msk [tilespmem:v63+s8+$0x0], $0xffff  }
0x8d: {  	[tilespmem:v32+s13+$0x0] =	vst.idx.add.f32.msk $0xffff, v31  }
0x8e: {  	[tilespmem:v33+s13+$0x0] =	vst.idx.add.f32.msk $0xffff, v2  }
0x8f: {  	[tilespmem:v34+s13+$0x0] =	vst.idx.add.f32.msk $0xffff, v3  }
0x90: {  	[tilespmem:v35+s13+$0x0] =	vst.idx.add.f32.msk $0xffff, v4  }
0x91: {  	[tilespmem:v36+s13+$0x0] =	vst.idx.add.f32.msk $0xffff, v5  }
0x92: {  	[tilespmem:v37+s13+$0x0] =	vst.idx.add.f32.msk $0xffff, v6  }
0x93: {  	[tilespmem:v38+s13+$0x0] =	vst.idx.add.f32.msk $0xffff, v8  }
0x94: {  	[tilespmem:v39+s13+$0x0] =	vst.idx.add.f32.msk $0xffff, v9  }
0x95: {  	[tilespmem:v40+s13+$0x0] =	vst.idx.add.f32.msk $0xffff, v10  }
0x96: {  	[tilespmem:v41+s13+$0x0] =	vst.idx.add.f32.msk $0xffff, v11  }
0x97: {  	[tilespmem:v42+s13+$0x0] =	vst.idx.add.f32.msk $0xffff, v12  }
0x98: {  	[tilespmem:v43+s13+$0x0] =	vst.idx.add.f32.msk $0xffff, v13  }
0x99: {  	[tilespmem:v46+s13+$0x0] =	vst.idx.add.f32.msk $0xffff, v14  }
0x9a: {  	[tilespmem:v47+s13+$0x0] =	vst.idx.add.f32.msk $0xffff, v15  }
0x9b: {  	[tilespmem:v48+s13+$0x0] =	vst.idx.add.f32.msk $0xffff, v16  }
0x9c: {  	[tilespmem:v49+s13+$0x0] =	vst.idx.add.f32.msk $0xffff, v17  }
0x9d: {  	[tilespmem:v50+s13+$0x0] =	vst.idx.add.f32.msk $0xffff, v18  }
0x9e: {  	[tilespmem:v51+s13+$0x0] =	vst.idx.add.f32.msk $0xffff, v19  }
0x9f: {  	[tilespmem:v52+s13+$0x0] =	vst.idx.add.f32.msk $0xffff, v20  }
0xa0: {  	[tilespmem:v53+s13+$0x0] =	vst.idx.add.f32.msk $0xffff, v21  }
0xa1: {  	[tilespmem:v54+s13+$0x0] =	vst.idx.add.f32.msk $0xffff, v22  }
0xa2: {  	[tilespmem:v55+s13+$0x0] =	vst.idx.add.f32.msk $0xffff, v23  }
0xa3: {  	[tilespmem:v56+s13+$0x0] =	vst.idx.add.f32.msk $0xffff, v24  }
0xa4: {  	[tilespmem:v57+s13+$0x0] =	vst.idx.add.f32.msk $0xffff, v25  }
0xa5: {  	[tilespmem:v58+s13+$0x0] =	vst.idx.add.f32.msk $0xffff, v26  }
0xa6: {  	[tilespmem:v59+s13+$0x0] =	vst.idx.add.f32.msk $0xffff, v27  }
0xa7: {  	v1 =	vld.idx.msk [tilespmem:v1+s8+$0x0], $0xffff  }
0xa8: {  	[tilespmem:v60+s13+$0x0] =	vst.idx.add.f32.msk $0xffff, v28  }
0xa9: {  	[tilespmem:v61+s13+$0x0] =	vst.idx.add.f32.msk $0xffff, v29  }
0xaa: {  	[tilespmem:v62+s13+$0x0] =	vst.idx.add.f32.msk $0xffff, v30  }
0xab: {  	[tilespmem:v45+s13+$0x0] =	vst.idx.add.f32.msk $0xffff, v7  }
0xac: {  	s20 =	simm.s32 $0x300;
	s19 =	simm.s32 $0x0;
	[tilespmem:v44+s13+$0x0] =	vst.idx.add.f32.msk $0xffff, v1  }
.LBB2_4:
0xad: {  	v1 =	vld [tilespmem:s20+$0xF0];
	s19 =	sadd.s32 $0x20, s19  }
0xae: {  	v2 =	vld [tilespmem:s20+$0xFFFFFF10];
	p0 =	slt.u32 s19, $0x240  }
0xaf: {  	v3 =	vld [tilespmem:s20+$0xFFFFFF20]  }
0xb0: {  	v4 =	vld [tilespmem:s20+$0xFFFFFF30]  }
0xb1: {  	v5 =	vld [tilespmem:s20+$0xFFFFFF40]  }
0xb2: {  	s18 =	sadd.s32 $0x200, s18;
	v6 =	vld [tilespmem:s20+$0xFFFFFF50]  }
0xb3: {  	v7 =	vld [tilespmem:s18+$0xF0]  }
0xb4: {  	v8 =	vld [tilespmem:s20+$0xFFFFFF60]  }
0xb5: {  	v1 =	vld.idx.msk [tilespmem:v1+s8+$0x0], $0xffff  }
0xb6: {  	v9 =	vld [tilespmem:s20+$0xFFFFFF70]  }
0xb7: {  	v10 =	vld [tilespmem:s20+$0xFFFFFF80]  }
0xb8: {  	v11 =	vld [tilespmem:s20+$0xFFFFFF90]  }
0xb9: {  	v12 =	vld [tilespmem:s20+$0xFFFFFFA0]  }
0xba: {  	v13 =	vld [tilespmem:s20+$0xFFFFFFB0]  }
0xbb: {  	s21 =	simm.s32 $0x0;
	[tilespmem:v7+s13+$0x0] =	vst.idx.add.f32.msk $0xffff, v1  }
0xbc: {  	v1 =	vld [tilespmem:s20+$0xFFFFFFC0]  }
0xbd: {  	v7 =	vld [tilespmem:s20+$0xFFFFFFD0]  }
0xbe: {  	v14 =	vld [tilespmem:s20+$0xFFFFFFE0]  }
0xbf: {  	v15 =	vld [tilespmem:s20+$0xFFFFFFF0]  }
0xc0: {  	v16 =	vld [tilespmem:s20+$0x0]  }
0xc1: {  	v17 =	vld [tilespmem:s20+$0x10]  }
0xc2: {  	v18 =	vld [tilespmem:s20+$0x20]  }
0xc3: {  	v19 =	vld [tilespmem:s20+$0x30]  }
0xc4: {  	v20 =	vld [tilespmem:s20+$0x40]  }
0xc5: {  	v21 =	vld [tilespmem:s20+$0x50]  }
0xc6: {  	v22 =	vld [tilespmem:s20+$0x60]  }
0xc7: {  	v23 =	vld [tilespmem:s20+$0x70]  }
0xc8: {  	v24 =	vld [tilespmem:s20+$0x80]  }
0xc9: {  	v25 =	vld [tilespmem:s20+$0x90]  }
0xca: {  	v26 =	vld [tilespmem:s20+$0xA0]  }
0xcb: {  	v27 =	vld [tilespmem:s20+$0xB0]  }
0xcc: {  	v28 =	vld [tilespmem:s20+$0xC0]  }
0xcd: {  	v29 =	vld [tilespmem:s20+$0xD0]  }
0xce: {  	v30 =	vld [tilespmem:s20+$0xE0]  }
0xcf: {  	v31 =	vld [tilespmem:s20+$0xFFFFFF00]  }
0xd0: {  	v2 =	vld.idx.msk [tilespmem:v2+s8+$0x0], $0xffff  }
0xd1: {  	v3 =	vld.idx.msk [tilespmem:v3+s8+$0x0], $0xffff  }
0xd2: {  	v4 =	vld.idx.msk [tilespmem:v4+s8+$0x0], $0xffff  }
0xd3: {  	v5 =	vld.idx.msk [tilespmem:v5+s8+$0x0], $0xffff  }
0xd4: {  	v6 =	vld.idx.msk [tilespmem:v6+s8+$0x0], $0xffff  }
0xd5: {  	v8 =	vld.idx.msk [tilespmem:v8+s8+$0x0], $0xffff  }
0xd6: {  	v9 =	vld.idx.msk [tilespmem:v9+s8+$0x0], $0xffff  }
0xd7: {  	v31 =	vld.idx.msk [tilespmem:v31+s8+$0x0], $0xffff  }
0xd8: {  	v10 =	vld.idx.msk [tilespmem:v10+s8+$0x0], $0xffff  }
0xd9: {  	v11 =	vld.idx.msk [tilespmem:v11+s8+$0x0], $0xffff  }
0xda: {  	v12 =	vld.idx.msk [tilespmem:v12+s8+$0x0], $0xffff  }
0xdb: {  	v13 =	vld.idx.msk [tilespmem:v13+s8+$0x0], $0xffff  }
0xdc: {  	v1 =	vld.idx.msk [tilespmem:v1+s8+$0x0], $0xffff  }
0xdd: {  	v7 =	vld.idx.msk [tilespmem:v7+s8+$0x0], $0xffff  }
0xde: {  	v14 =	vld.idx.msk [tilespmem:v14+s8+$0x0], $0xffff  }
0xdf: {  	v15 =	vld.idx.msk [tilespmem:v15+s8+$0x0], $0xffff  }
0xe0: {  	v16 =	vld.idx.msk [tilespmem:v16+s8+$0x0], $0xffff  }
0xe1: {  	v17 =	vld.idx.msk [tilespmem:v17+s8+$0x0], $0xffff  }
0xe2: {  	v18 =	vld.idx.msk [tilespmem:v18+s8+$0x0], $0xffff  }
0xe3: {  	v19 =	vld.idx.msk [tilespmem:v19+s8+$0x0], $0xffff  }
0xe4: {  	v20 =	vld.idx.msk [tilespmem:v20+s8+$0x0], $0xffff  }
0xe5: {  	v21 =	vld.idx.msk [tilespmem:v21+s8+$0x0], $0xffff  }
0xe6: {  	v22 =	vld.idx.msk [tilespmem:v22+s8+$0x0], $0xffff  }
0xe7: {  	v23 =	vld.idx.msk [tilespmem:v23+s8+$0x0], $0xffff  }
0xe8: {  	v24 =	vld.idx.msk [tilespmem:v24+s8+$0x0], $0xffff  }
0xe9: {  	v25 =	vld.idx.msk [tilespmem:v25+s8+$0x0], $0xffff  }
0xea: {  	v26 =	vld.idx.msk [tilespmem:v26+s8+$0x0], $0xffff  }
0xeb: {  	v27 =	vld.idx.msk [tilespmem:v27+s8+$0x0], $0xffff  }
0xec: {  	v28 =	vld.idx.msk [tilespmem:v28+s8+$0x0], $0xffff  }
0xed: {  	v29 =	vld.idx.msk [tilespmem:v29+s8+$0x0], $0xffff  }
0xee: {  	v30 =	vld.idx.msk [tilespmem:v30+s8+$0x0], $0xffff  }
0xef: {  	v32 =	vld [tilespmem:s18+$0xFFFFFF00]  }
0xf0: {  	v33 =	vld [tilespmem:s18+$0xFFFFFF10]  }
0xf1: {  	v34 =	vld [tilespmem:s18+$0xFFFFFF20]  }
0xf2: {  	v35 =	vld [tilespmem:s18+$0xFFFFFF30]  }
0xf3: {  	v36 =	vld [tilespmem:s18+$0xFFFFFF40]  }
0xf4: {  	v37 =	vld [tilespmem:s18+$0xFFFFFF50]  }
0xf5: {  	v38 =	vld [tilespmem:s18+$0xFFFFFF60]  }
0xf6: {  	v39 =	vld [tilespmem:s18+$0xFFFFFF70]  }
0xf7: {  	v40 =	vld [tilespmem:s18+$0xFFFFFF80]  }
0xf8: {  	v41 =	vld [tilespmem:s18+$0xFFFFFF90]  }
0xf9: {  	v42 =	vld [tilespmem:s18+$0xFFFFFFA0]  }
0xfa: {  	v43 =	vld [tilespmem:s18+$0xFFFFFFB0]  }
0xfb: {  	v44 =	vld [tilespmem:s18+$0xFFFFFFC0]  }
0xfc: {  	v45 =	vld [tilespmem:s18+$0xFFFFFFD0]  }
0xfd: {  	v46 =	vld [tilespmem:s18+$0xFFFFFFE0]  }
0xfe: {  	v47 =	vld [tilespmem:s18+$0xFFFFFFF0]  }
0xff: {  	v48 =	vld [tilespmem:s18+$0x0]  }
0x100: {  	v49 =	vld [tilespmem:s18+$0x10]  }
0x101: {  	v50 =	vld [tilespmem:s18+$0x20]  }
0x102: {  	v51 =	vld [tilespmem:s18+$0x30]  }
0x103: {  	v52 =	vld [tilespmem:s18+$0x40]  }
0x104: {  	v53 =	vld [tilespmem:s18+$0x50]  }
0x105: {  	v54 =	vld [tilespmem:s18+$0x60]  }
0x106: {  	v55 =	vld [tilespmem:s18+$0x70]  }
0x107: {  	v56 =	vld [tilespmem:s18+$0x80]  }
0x108: {  	v57 =	vld [tilespmem:s18+$0x90]  }
0x109: {  	v58 =	vld [tilespmem:s18+$0xA0]  }
0x10a: {  	v59 =	vld [tilespmem:s18+$0xB0]  }
0x10b: {  	v60 =	vld [tilespmem:s18+$0xC0]  }
0x10c: {  	v61 =	vld [tilespmem:s18+$0xD0]  }
0x10d: {  	v62 =	vld [tilespmem:s18+$0xE0]  }
0x10e: {  	[tilespmem:v32+s13+$0x0] =	vst.idx.add.f32.msk $0xffff, v31  }
0x10f: {  	[tilespmem:v33+s13+$0x0] =	vst.idx.add.f32.msk $0xffff, v2  }
0x110: {  	[tilespmem:v34+s13+$0x0] =	vst.idx.add.f32.msk $0xffff, v3  }
0x111: {  	[tilespmem:v35+s13+$0x0] =	vst.idx.add.f32.msk $0xffff, v4  }
0x112: {  	[tilespmem:v36+s13+$0x0] =	vst.idx.add.f32.msk $0xffff, v5  }
0x113: {  	[tilespmem:v37+s13+$0x0] =	vst.idx.add.f32.msk $0xffff, v6  }
0x114: {  	[tilespmem:v38+s13+$0x0] =	vst.idx.add.f32.msk $0xffff, v8  }
0x115: {  	[tilespmem:v39+s13+$0x0] =	vst.idx.add.f32.msk $0xffff, v9  }
0x116: {  	[tilespmem:v40+s13+$0x0] =	vst.idx.add.f32.msk $0xffff, v10  }
0x117: {  	[tilespmem:v41+s13+$0x0] =	vst.idx.add.f32.msk $0xffff, v11  }
0x118: {  	[tilespmem:v42+s13+$0x0] =	vst.idx.add.f32.msk $0xffff, v12  }
0x119: {  	[tilespmem:v43+s13+$0x0] =	vst.idx.add.f32.msk $0xffff, v13  }
0x11a: {  	[tilespmem:v44+s13+$0x0] =	vst.idx.add.f32.msk $0xffff, v1  }
0x11b: {  	[tilespmem:v45+s13+$0x0] =	vst.idx.add.f32.msk $0xffff, v7  }
0x11c: {  	[tilespmem:v46+s13+$0x0] =	vst.idx.add.f32.msk $0xffff, v14  }
0x11d: {  	[tilespmem:v47+s13+$0x0] =	vst.idx.add.f32.msk $0xffff, v15  }
0x11e: {  	[tilespmem:v48+s13+$0x0] =	vst.idx.add.f32.msk $0xffff, v16  }
0x11f: {  	[tilespmem:v49+s13+$0x0] =	vst.idx.add.f32.msk $0xffff, v17  }
0x120: {  	[tilespmem:v50+s13+$0x0] =	vst.idx.add.f32.msk $0xffff, v18  }
0x121: {  	[tilespmem:v51+s13+$0x0] =	vst.idx.add.f32.msk $0xffff, v19  }
0x122: {  	[tilespmem:v52+s13+$0x0] =	vst.idx.add.f32.msk $0xffff, v20  }
0x123: {  	[tilespmem:v53+s13+$0x0] =	vst.idx.add.f32.msk $0xffff, v21  }
0x124: {  	[tilespmem:v54+s13+$0x0] =	vst.idx.add.f32.msk $0xffff, v22  }
0x125: {  	[tilespmem:v55+s13+$0x0] =	vst.idx.add.f32.msk $0xffff, v23  }
0x126: {  	[tilespmem:v56+s13+$0x0] =	vst.idx.add.f32.msk $0xffff, v24  }
0x127: {  	[tilespmem:v57+s13+$0x0] =	vst.idx.add.f32.msk $0xffff, v25  }
.Ltmp1:
0x128: {  	[tilespmem:v58+s13+$0x0] =	vst.idx.add.f32.msk $0xffff, v26;
	(pc) =	sbr.rel @p0 .LBB2_4-.Ltmp1, $4  }
0x129: {  	[tilespmem:v59+s13+$0x0] =	vst.idx.add.f32.msk $0xffff, v27  }
0x12a: {  	[tilespmem:v60+s13+$0x0] =	vst.idx.add.f32.msk $0xffff, v28  }
0x12b: {  	[tilespmem:v61+s13+$0x0] =	vst.idx.add.f32.msk $0xffff, v29  }
0x12c: {  	s20 =	sadd.s32 $0x200, s20;
	[tilespmem:v62+s13+$0x0] =	vst.idx.add.f32.msk $0xffff, v30  }
.LBB2_5:
0x12d: {  	s18 =	sshra.s32 s21, $0x2  }
0x12e: {  	v1 =	vld [tilespmem:s18+$0x2600];
	_ =	sdelay $0x4  }
0x12f: {  	v2 =	vld [tilespmem:s18+$0x4D80];
	_ =	sdelay $0x2  }
0x130: {  	p0 =	sne.s32 s21, $0x400;
	v1 =	vld.idx.msk [tilespmem:v1+s8+$0x0], $0xffff  }
.Ltmp2:
0x131: {  	_ = 	snop;
	(pc) =	sbr.rel @p0 .LBB2_5-.Ltmp2, $2  }
0x132: {  	_ =	sdelay $0x2  }
0x133: {  	s21 =	sadd.s32 $0x40, s21;
	[tilespmem:v2+s13+$0x0] =	vst.idx.add.f32.msk $0xffff, v1  }
0x134: {  	s17 =	sadd.s32 $0x1, s17  }
0x135: {  	p0 =	sne.s32 s17, s7  }
.Ltmp3:
0x136: {  	_ = 	snop;
	(pc) =	sbr.rel @p0 .LBB2_1-.Ltmp3, $4  }
0x137: {  	[hbm4b:s6+s14] =	stream.strided.scatter [tilespmem:s13], [sflag:$0x4], $0x2780, s15, s14, $0x38;
	[tilespmem:$0x9E00] =	vst v63  }
0x138: {  	_ =	swait.ge [sflag:s16], $0x2780  }
0x139: {  	[sflag:s16] =	ssyncset.done $0x0  }
0x13a: {  	[sflag:s16] =	ssyncadd.s32 $0xFFFFD880  }
0x13b: {  	_ =	sfence.sel $0x180000  }
0x13c: {  	[bflag:$0x0] =	sbarrier.arrive $0xFFFF  }
0x13d: {  	p0 =	sne.s32 s0, $0x0;
	_ =	strace $0x9000004A  }
0x13e: {  	s0 =	sadd.s32 @!p0 $0x100000, s1;
	[bflag:$0x2] =	sbarrier.arrive $0xFFFF  }
0x13f: {  	[sflag:s0] =	ssyncadd.tile.s32 @!p0 $0x1;
	_ =	shalt  }
.Lfunc_end2:
_tile_overlayer_lowered:
.L_overlay_start_2:
0x140: {  	(tag) =	ssettag $0x2  }
0x141: {  	s0 =	rddreg [dreg:$0x0];
	s2 =	stileid.u32  }
0x142: {  	s1 =	rddreg [dreg:$0x1];
	p0 =	sne.s32 s2, $0x0  }
0x143: {  	s3 =	rddreg [dreg:$0x2];
	[bflag:$0x3] =	sbarrier.arrive $0xFFFF;
	s2 =	simm.s32 @!p0 $0x1C04  }
0x144: {  	[timem:s3], [sflag:s2] =	dma.local @!p0 [hbm:s0], s1  }
0x145: {  	s0 =	simm.s32 @!p0 $0x4  }
0x146: {  	_ =	swait.ge @!p0 [sflag:s0], s1  }
0x147: {  	s1 =	ssub.s32 @!p0 $0x0, s1;
	[sflag:s0] =	ssyncset.done @!p0 $0x0  }
0x148: {  	[sflag:s0] =	ssyncadd.s32 @!p0 s1  }
0x149: {  	[bflag:$0x3] =	sbarrier.arrive $0xFFFF  }
0x14a: {  	_ =	shalt  }

</sc_bundles>
